<compile_context>
chip_gen: v7x
topology: tpu7x:2x2x1
jax: 0.10.2.dev20260603
libtpu: 0.0.44.dev20260713+nightly
codegen_flags: <defaults>
</compile_context>

<pallas_src>
import jax
import jax.numpy as jnp
from jax import lax
from jax.experimental import pallas as pl
from jax.experimental.pallas import tpu as pltpu
from jax.experimental.pallas import tpu_sc as plsc

_N = 10000
_NP = 10240
_FW = 3 * _NP
_E = 640000
_NC = 2
_NS = 16
_L = 16
_NW = _NC * _NS
_EPW = _E // _NW
_CH = 2000
_NCHUNK = _EPW // _CH
_NPAIR = _NCHUNK // 2
_STEPS = _CH // _L
_SL = _FW // _NS
_CHA = 2176


def _body(posx_h, posy_h, posz_h, ei_h, eps_h, sig_h,
          outf_h,
          x_v, y_v, z_v, facc, sd_v, eps_v, sig_v,
          acc_v, tmp_v, shared_all, sem0, sem1, sem2):
    c = lax.axis_index("c")
    s = lax.axis_index("s")
    wid = s * _NC + c
    base = wid * _EPW

    def aligned(off):
        aoff = (off // 128) * 128
        return jnp.minimum(aoff, _E - _CHA)

    def issue(off, b, sem):
        half = pl.ds(b * _CH, _CH)
        pltpu.async_copy(ei_h.at[:, pl.ds(aligned(off), _CHA)],
                         sd_v.at[:, pl.ds(b * _CHA, _CHA)], sem)
        pltpu.async_copy(eps_h.at[pl.ds(off, _CH)], eps_v.at[half], sem)
        pltpu.async_copy(sig_h.at[pl.ds(off, _CH)], sig_v.at[half], sem)

    def drain(b, sem):
        z = pl.ds(0, _CH)
        half = pl.ds(b * _CH, _CH)
        pltpu.make_async_copy(ei_h.at[:, pl.ds(0, _CHA)],
                              sd_v.at[:, pl.ds(b * _CHA, _CHA)], sem).wait()
        pltpu.make_async_copy(eps_h.at[z], eps_v.at[half], sem).wait()
        pltpu.make_async_copy(sig_h.at[z], sig_v.at[half], sem).wait()

    issue(base, 0, sem0)
    issue(base + _CH, 1, sem1)

    pcp = [pltpu.async_copy(posx_h, x_v, sem2),
           pltpu.async_copy(posy_h, y_v, sem2),
           pltpu.async_copy(posz_h, z_v, sem2)]

    zero_f = jnp.zeros((_L,), jnp.float32)

    @plsc.parallel_loop(0, _FW // _L, unroll=8)
    def zfill(j):
        facc[pl.ds(j * _L, _L)] = zero_f

    for cp in pcp:
        cp.wait()

    off1 = jnp.full((_L,), _NP, jnp.int32)
    off2 = jnp.full((_L,), 2 * _NP, jnp.int32)

    def edge_block(b, off, e_acc):
        cbase = b * _CH
        ibase = b * _CHA + (off - aligned(off))

        @plsc.parallel_loop(0, _STEPS, unroll=5, carry=e_acc)
        def step(i, e_c):
            sl = pl.ds(cbase + i * _L, _L)
            sli = pl.ds(ibase + i * _L, _L)
            si = sd_v[0, sli]
            di = sd_v[1, sli]
            ep = eps_v[sl]
            sg = sig_v[sl]
            dx = plsc.load_gather(x_v, [si]) - plsc.load_gather(x_v, [di])
            dy = plsc.load_gather(y_v, [si]) - plsc.load_gather(y_v, [di])
            dz = plsc.load_gather(z_v, [si]) - plsc.load_gather(z_v, [di])
            r2 = dx * dx + dy * dy + dz * dz
            inv = 1.0 / jnp.maximum(r2, 0.09)
            s2 = sg * sg * inv
            s6 = s2 * s2 * s2
            s12 = s6 * s6
            e4 = 4.0 * ep
            g = e4 * (12.0 * s12 - 6.0 * s6) * inv
            plsc.addupdate_scatter(facc, [si], g * dx)
            plsc.addupdate_scatter(facc, [si + off1], g * dy)
            plsc.addupdate_scatter(facc, [si + off2], g * dz)
            return e_c + e4 * (s12 - s6)
        return step

    def pair(j, e_acc):
        offj = base + (2 * j) * _CH
        drain(0, sem0)
        e_acc = edge_block(0, offj, e_acc)

        @pl.when(j < _NPAIR - 1)
        def _():
            issue(offj + 2 * _CH, 0, sem0)

        drain(1, sem1)
        e_acc = edge_block(1, offj + _CH, e_acc)

        @pl.when(j < _NPAIR - 1)
        def _():
            issue(offj + 3 * _CH, 1, sem1)

        return e_acc

    e_total = lax.fori_loop(0, _NPAIR, pair, jnp.zeros((_L,), jnp.float32))

    erow = jnp.where(wid < 30, wid // 15, 2)
    ecol = jnp.where(wid < 30, wid % 15, wid - 30)
    facc[pl.ds(erow * _NP + _N + ecol * _L, _L)] = e_total

    pltpu.sync_copy(facc, shared_all.at[pl.ds(s * _FW, _FW)])
    plsc.subcore_barrier()

    sbase = s * _SL
    pltpu.sync_copy(shared_all.at[pl.ds(sbase, _SL)], acc_v)

    def red(t, carry):
        pltpu.sync_copy(shared_all.at[pl.ds(t * _FW + sbase, _SL)], tmp_v)

        @plsc.parallel_loop(0, _SL // _L, unroll=8)
        def add_vec(j):
            jl = pl.ds(j * _L, _L)
            acc_v[jl] = acc_v[jl] + tmp_v[jl]
        return carry

    lax.fori_loop(1, _NS, red, 0)
    pltpu.sync_copy(acc_v, outf_h.at[c, pl.ds(sbase, _SL)])


@jax.jit
def _lj(posx, posy, posz, ei, eps, sig):
    mesh = plsc.VectorSubcoreMesh(core_axis_name="c", subcore_axis_name="s")
    f = pl.kernel(
        _body,
        out_type=jax.ShapeDtypeStruct((_NC, _FW), jnp.float32),
        mesh=mesh,
        scratch_types=[
            pltpu.VMEM((_N,), jnp.float32),
            pltpu.VMEM((_N,), jnp.float32),
            pltpu.VMEM((_N,), jnp.float32),
            pltpu.VMEM((_FW,), jnp.float32),
            pltpu.VMEM((2, 2 * _CHA), jnp.int32),
            pltpu.VMEM((2 * _CH,), jnp.float32),
            pltpu.VMEM((2 * _CH,), jnp.float32),
            pltpu.VMEM((_SL,), jnp.float32),
            pltpu.VMEM((_SL,), jnp.float32),
            pltpu.VMEM_SHARED((_NS * _FW,), jnp.float32),
            pltpu.SemaphoreType.DMA,
            pltpu.SemaphoreType.DMA,
            pltpu.SemaphoreType.DMA,
        ],
        compiler_params=pltpu.CompilerParams(needs_layout_passes=False),
    )
    return f(posx, posy, posz, ei, eps, sig)


def kernel(pos, epsilon, sigma, edge_index):
    outf = _lj(pos[:, 0], pos[:, 1], pos[:, 2],
               edge_index, epsilon, sigma)
    ftot = (outf[0] + outf[1]).reshape(3, _NP)
    forces = ftot[:, :_N].T
    energy = ftot[:, _N:].sum()
    return energy, forces

# --- scband reference (transcript-rebuilt; emitter-appended) ---
"""Pipeline reference for scband-lennard-jones-force-50757923504448 (READ-ONLY COPY).

The authoritative reference and input builder live on the scoring server;
editing this copy changes nothing except your own understanding.
"""

import jax, jax.numpy as jnp
import numpy as np

N_ATOMS = 10000
N_EDGES = 640000


def setup_inputs(seed: int = 0) -> dict:
    key = jax.random.key(seed)
    k1, k2, k3, k4 = jax.random.split(key, 4)
    # positions in a 10x10x10 box so typical pair distances are well away from r=0
    pos = jax.random.uniform(k1, (N_ATOMS, 3), dtype=jnp.float32) * 10.0
    # per-pair LJ parameters (molecular.pair_params[0] = epsilon, [1] = sigma)
    epsilon = jax.random.uniform(k2, (N_EDGES,), dtype=jnp.float32) * 0.5 + 0.1
    sigma = jax.random.uniform(k3, (N_EDGES,), dtype=jnp.float32) * 0.3 + 0.2
    edge_index = jax.random.randint(k4, (2, N_EDGES), 0, N_ATOMS, dtype=jnp.int32)
    return {"pos": pos, "epsilon": epsilon, "sigma": sigma, "edge_index": edge_index}


def reference(pos, epsilon, sigma, edge_index):
    src = edge_index[0]
    dst = edge_index[1]
    # edge_attr r: pairwise distances recomputed from pos (graph_data.edge_attr)
    diff = pos[src] - pos[dst]                      # gather [E,3]
    r = jnp.sqrt(jnp.sum(diff * diff, axis=1))
    r = jnp.maximum(r, 0.3)                          # numerical safeguard for random pairs
    # v_r = 4*eps*((sigma/r)^12 - (sigma/r)^6)
    sr = sigma / r
    sr6 = sr ** 6
    v_r = 4.0 * epsilon * (sr6 * sr6 - sr6)
    total_energy = v_r.sum()
    # afc: d v_r / d pos_src per edge, scatter-added by edge_index[0]
    dv_dr = 4.0 * epsilon * (-12.0 * sr6 * sr6 / r + 6.0 * sr6 / r)
    unit = diff / r[:, None]
    f_edge = dv_dr[:, None] * unit                   # [E,3]
    pair_force = jnp.zeros_like(pos).at[src].add(f_edge)  # scatter-add [N,3]
    forces = -pair_force
    return total_energy, forces

if __name__ == "__main__":
    import jax
    _d = setup_inputs()
    print(jax.jit(kernel)(*tuple(_d.values())))

</pallas_src>

<mosaic_0001>
#map = affine_map<(d0, d1) -> (0)>
#map1 = affine_map<(d0, d1) -> (0, 0)>
module attributes {stable_mosaic.version = 14 : i64} {
  func.func @_body(%arg0: i32, %arg1: i32, %arg2: memref<10000xf32, #tpu.memory_space<hbm>>, %arg3: memref<10000xf32, #tpu.memory_space<hbm>>, %arg4: memref<10000xf32, #tpu.memory_space<hbm>>, %arg5: memref<2x640000xi32, #tpu.memory_space<hbm>>, %arg6: memref<640000xf32, #tpu.memory_space<hbm>>, %arg7: memref<640000xf32, #tpu.memory_space<hbm>>, %arg8: memref<2x30720xf32, #tpu.memory_space<hbm>>, %arg9: memref<10000xf32, #tpu.memory_space<vmem>>, %arg10: memref<10000xf32, #tpu.memory_space<vmem>>, %arg11: memref<10000xf32, #tpu.memory_space<vmem>>, %arg12: memref<30720xf32, #tpu.memory_space<vmem>>, %arg13: memref<2x4352xi32, #tpu.memory_space<vmem>>, %arg14: memref<4000xf32, #tpu.memory_space<vmem>>, %arg15: memref<4000xf32, #tpu.memory_space<vmem>>, %arg16: memref<1920xf32, #tpu.memory_space<vmem>>, %arg17: memref<1920xf32, #tpu.memory_space<vmem>>, %arg18: memref<491520xf32, #tpu.memory_space<vmem_shared>>, %arg19: memref<!tpu.dma_semaphore, #tpu.memory_space<semaphore_mem>>, %arg20: memref<!tpu.dma_semaphore, #tpu.memory_space<semaphore_mem>>, %arg21: memref<!tpu.dma_semaphore, #tpu.memory_space<semaphore_mem>>) attributes {dimension_semantics = [#tpu.dimension_semantics<core_parallel>, #tpu.dimension_semantics<subcore_parallel>], iteration_bounds = array<i64: 2, 16>, scalar_prefetch = 0 : i64, scratch_operands = 13 : i64, tpu.core_type = #tpu.core_type<sc_vector_subcore>, window_params = [{transform_indices = #map}, {transform_indices = #map}, {transform_indices = #map}, {transform_indices = #map1}, {transform_indices = #map}, {transform_indices = #map}, {transform_indices = #map1}]} {
    %mul3A = arith.constant 2 : i32
    %mul3A_0 = arith.muli %arg1, %mul3A : i32
    %add3A = arith.addi %mul3A_0, %arg0 : i32
    %mul3A_1 = arith.constant 20000 : i32
    %mul3A_2 = arith.muli %add3A, %mul3A_1 : i32
    %jit3A = arith.constant 128 : i32
    %div3A = arith.divsi %mul3A_2, %jit3A : i32
    %sign3A = arith.constant 0 : i32
    %sign3A_3 = arith.cmpi sgt, %mul3A_2, %sign3A : i32
    %sign3A_4 = arith.extui %sign3A_3 : i1 to i32
    %sign3A_5 = arith.constant 0 : i32
    %sign3A_6 = arith.cmpi slt, %mul3A_2, %sign3A_5 : i32
    %sign3A_7 = arith.extui %sign3A_6 : i1 to i32
    %sign3A_8 = arith.subi %sign3A_4, %sign3A_7 : i32
    %sign3A_9 = arith.constant 0 : i32
    %sign3A_10 = arith.cmpi sgt, %jit3A, %sign3A_9 : i32
    %sign3A_11 = arith.extui %sign3A_10 : i1 to i32
    %sign3A_12 = arith.constant 0 : i32
    %sign3A_13 = arith.cmpi slt, %jit3A, %sign3A_12 : i32
    %sign3A_14 = arith.extui %sign3A_13 : i1 to i32
    %sign3A_15 = arith.subi %sign3A_11, %sign3A_14 : i32
    %ne3A = arith.cmpi ne, %sign3A_8, %sign3A_15 : i32
    %rem3A = arith.remsi %mul3A_2, %jit3A : i32
    %ne3A_16 = arith.constant 0 : i32
    %ne3A_17 = arith.cmpi ne, %rem3A, %ne3A_16 : i32
    %and3A = arith.andi %ne3A, %ne3A_17 : i1
    %sub3A = arith.constant 1 : i32
    %sub3A_18 = arith.subi %div3A, %sub3A : i32
    %select_n3A = arith.select %and3A, %sub3A_18, %div3A : i32
    %mul3A_19 = arith.constant 128 : i32
    %mul3A_20 = arith.muli %select_n3A, %mul3A_19 : i32
    %min3A = arith.constant 637824 : i32
    %min3A_21 = arith.minsi %mul3A_20, %min3A : i32
    %dma_start3A = arith.constant 0 : i32
    %dma_start3A_22 = arith.constant 0 : i32
    %dma_start3A_23 = tpu.memref_slice %arg13[%dma_start3A, %dma_start3A_22] : memref<2x4352xi32, #tpu.memory_space<vmem>> -> memref<2x2176xi32, #tpu.memory_space<vmem>>
    %dma_start3A_24 = arith.constant 0 : i32
    %dma_start3A_25 = tpu.memref_slice %arg5[%dma_start3A_24, %min3A_21] : memref<2x640000xi32, #tpu.memory_space<hbm>> -> memref<2x2176xi32, #tpu.memory_space<hbm>>
    %dma_start3A_26 = arith.constant 0 : i32
    %dma_start3A_27 = arith.constant 0 : i32
    %dma_start3A_28 = tpu.memref_slice %arg13[%dma_start3A_26, %dma_start3A_27] : memref<2x4352xi32, #tpu.memory_space<vmem>> -> memref<2x2176xi32, #tpu.memory_space<vmem>>
    %dma_start3A_29 = arith.constant 0 : i32
    %dma_start3A_30 = tpu.memref_slice %arg5[%dma_start3A_29, %min3A_21] : memref<2x640000xi32, #tpu.memory_space<hbm>> -> memref<2x2176xi32, #tpu.memory_space<hbm>>
    tpu.enqueue_dma source(%dma_start3A_30 : memref<2x2176xi32, #tpu.memory_space<hbm>>) target(%dma_start3A_28 : memref<2x2176xi32, #tpu.memory_space<vmem>>) target_semaphore(%arg19 : memref<!tpu.dma_semaphore, #tpu.memory_space<semaphore_mem>>)
    %dma_start3A_31 = arith.constant 0 : i32
    %dma_start3A_32 = tpu.memref_slice %arg14[%dma_start3A_31] : memref<4000xf32, #tpu.memory_space<vmem>> -> memref<2000xf32, #tpu.memory_space<vmem>>
    %dma_start3A_33 = tpu.memref_slice %arg6[%mul3A_2] : memref<640000xf32, #tpu.memory_space<hbm>> -> memref<2000xf32, #tpu.memory_space<hbm>>
    %dma_start3A_34 = arith.constant 0 : i32
    %dma_start3A_35 = tpu.memref_slice %arg14[%dma_start3A_34] : memref<4000xf32, #tpu.memory_space<vmem>> -> memref<2000xf32, #tpu.memory_space<vmem>>
    %dma_start3A_36 = tpu.memref_slice %arg6[%mul3A_2] : memref<640000xf32, #tpu.memory_space<hbm>> -> memref<2000xf32, #tpu.memory_space<hbm>>
    tpu.enqueue_dma source(%dma_start3A_36 : memref<2000xf32, #tpu.memory_space<hbm>>) target(%dma_start3A_35 : memref<2000xf32, #tpu.memory_space<vmem>>) target_semaphore(%arg19 : memref<!tpu.dma_semaphore, #tpu.memory_space<semaphore_mem>>)
    %dma_start3A_37 = arith.constant 0 : i32
    %dma_start3A_38 = tpu.memref_slice %arg15[%dma_start3A_37] : memref<4000xf32, #tpu.memory_space<vmem>> -> memref<2000xf32, #tpu.memory_space<vmem>>
    %dma_start3A_39 = tpu.memref_slice %arg7[%mul3A_2] : memref<640000xf32, #tpu.memory_space<hbm>> -> memref<2000xf32, #tpu.memory_space<hbm>>
    %dma_start3A_40 = arith.constant 0 : i32
    %dma_start3A_41 = tpu.memref_slice %arg15[%dma_start3A_40] : memref<4000xf32, #tpu.memory_space<vmem>> -> memref<2000xf32, #tpu.memory_space<vmem>>
    %dma_start3A_42 = tpu.memref_slice %arg7[%mul3A_2] : memref<640000xf32, #tpu.memory_space<hbm>> -> memref<2000xf32, #tpu.memory_space<hbm>>
    tpu.enqueue_dma source(%dma_start3A_42 : memref<2000xf32, #tpu.memory_space<hbm>>) target(%dma_start3A_41 : memref<2000xf32, #tpu.memory_space<vmem>>) target_semaphore(%arg19 : memref<!tpu.dma_semaphore, #tpu.memory_space<semaphore_mem>>)
    %add3A_43 = arith.constant 2000 : i32
    %add3A_44 = arith.addi %mul3A_2, %add3A_43 : i32
    %jit3A_45 = arith.constant 128 : i32
    %div3A_46 = arith.divsi %add3A_44, %jit3A_45 : i32
    %sign3A_47 = arith.constant 0 : i32
    %sign3A_48 = arith.cmpi sgt, %add3A_44, %sign3A_47 : i32
    %sign3A_49 = arith.extui %sign3A_48 : i1 to i32
    %sign3A_50 = arith.constant 0 : i32
    %sign3A_51 = arith.cmpi slt, %add3A_44, %sign3A_50 : i32
    %sign3A_52 = arith.extui %sign3A_51 : i1 to i32
    %sign3A_53 = arith.subi %sign3A_49, %sign3A_52 : i32
    %sign3A_54 = arith.constant 0 : i32
    %sign3A_55 = arith.cmpi sgt, %jit3A_45, %sign3A_54 : i32
    %sign3A_56 = arith.extui %sign3A_55 : i1 to i32
    %sign3A_57 = arith.constant 0 : i32
    %sign3A_58 = arith.cmpi slt, %jit3A_45, %sign3A_57 : i32
    %sign3A_59 = arith.extui %sign3A_58 : i1 to i32
    %sign3A_60 = arith.subi %sign3A_56, %sign3A_59 : i32
    %ne3A_61 = arith.cmpi ne, %sign3A_53, %sign3A_60 : i32
    %rem3A_62 = arith.remsi %add3A_44, %jit3A_45 : i32
    %ne3A_63 = arith.constant 0 : i32
    %ne3A_64 = arith.cmpi ne, %rem3A_62, %ne3A_63 : i32
    %and3A_65 = arith.andi %ne3A_61, %ne3A_64 : i1
    %sub3A_66 = arith.constant 1 : i32
    %sub3A_67 = arith.subi %div3A_46, %sub3A_66 : i32
    %select_n3A_68 = arith.select %and3A_65, %sub3A_67, %div3A_46 : i32
    %mul3A_69 = arith.constant 128 : i32
    %mul3A_70 = arith.muli %select_n3A_68, %mul3A_69 : i32
    %min3A_71 = arith.constant 637824 : i32
    %min3A_72 = arith.minsi %mul3A_70, %min3A_71 : i32
    %dma_start3A_73 = arith.constant 0 : i32
    %dma_start3A_74 = arith.constant 2176 : i32
    %dma_start3A_75 = tpu.memref_slice %arg13[%dma_start3A_73, %dma_start3A_74] : memref<2x4352xi32, #tpu.memory_space<vmem>> -> memref<2x2176xi32, #tpu.memory_space<vmem>>
    %dma_start3A_76 = arith.constant 0 : i32
    %dma_start3A_77 = tpu.memref_slice %arg5[%dma_start3A_76, %min3A_72] : memref<2x640000xi32, #tpu.memory_space<hbm>> -> memref<2x2176xi32, #tpu.memory_space<hbm>>
    %dma_start3A_78 = arith.constant 0 : i32
    %dma_start3A_79 = arith.constant 2176 : i32
    %dma_start3A_80 = tpu.memref_slice %arg13[%dma_start3A_78, %dma_start3A_79] : memref<2x4352xi32, #tpu.memory_space<vmem>> -> memref<2x2176xi32, #tpu.memory_space<vmem>>
    %dma_start3A_81 = arith.constant 0 : i32
    %dma_start3A_82 = tpu.memref_slice %arg5[%dma_start3A_81, %min3A_72] : memref<2x640000xi32, #tpu.memory_space<hbm>> -> memref<2x2176xi32, #tpu.memory_space<hbm>>
    tpu.enqueue_dma source(%dma_start3A_82 : memref<2x2176xi32, #tpu.memory_space<hbm>>) target(%dma_start3A_80 : memref<2x2176xi32, #tpu.memory_space<vmem>>) target_semaphore(%arg20 : memref<!tpu.dma_semaphore, #tpu.memory_space<semaphore_mem>>)
    %dma_start3A_83 = arith.constant 2000 : i32
    %dma_start3A_84 = tpu.memref_slice %arg14[%dma_start3A_83] : memref<4000xf32, #tpu.memory_space<vmem>> -> memref<2000xf32, #tpu.memory_space<vmem>>
    %dma_start3A_85 = tpu.memref_slice %arg6[%add3A_44] : memref<640000xf32, #tpu.memory_space<hbm>> -> memref<2000xf32, #tpu.memory_space<hbm>>
    %dma_start3A_86 = arith.constant 2000 : i32
    %dma_start3A_87 = tpu.memref_slice %arg14[%dma_start3A_86] : memref<4000xf32, #tpu.memory_space<vmem>> -> memref<2000xf32, #tpu.memory_space<vmem>>
    %dma_start3A_88 = tpu.memref_slice %arg6[%add3A_44] : memref<640000xf32, #tpu.memory_space<hbm>> -> memref<2000xf32, #tpu.memory_space<hbm>>
    tpu.enqueue_dma source(%dma_start3A_88 : memref<2000xf32, #tpu.memory_space<hbm>>) target(%dma_start3A_87 : memref<2000xf32, #tpu.memory_space<vmem>>) target_semaphore(%arg20 : memref<!tpu.dma_semaphore, #tpu.memory_space<semaphore_mem>>)
    %dma_start3A_89 = arith.constant 2000 : i32
    %dma_start3A_90 = tpu.memref_slice %arg15[%dma_start3A_89] : memref<4000xf32, #tpu.memory_space<vmem>> -> memref<2000xf32, #tpu.memory_space<vmem>>
    %dma_start3A_91 = tpu.memref_slice %arg7[%add3A_44] : memref<640000xf32, #tpu.memory_space<hbm>> -> memref<2000xf32, #tpu.memory_space<hbm>>
    %dma_start3A_92 = arith.constant 2000 : i32
    %dma_start3A_93 = tpu.memref_slice %arg15[%dma_start3A_92] : memref<4000xf32, #tpu.memory_space<vmem>> -> memref<2000xf32, #tpu.memory_space<vmem>>
    %dma_start3A_94 = tpu.memref_slice %arg7[%add3A_44] : memref<640000xf32, #tpu.memory_space<hbm>> -> memref<2000xf32, #tpu.memory_space<hbm>>
    tpu.enqueue_dma source(%dma_start3A_94 : memref<2000xf32, #tpu.memory_space<hbm>>) target(%dma_start3A_93 : memref<2000xf32, #tpu.memory_space<vmem>>) target_semaphore(%arg20 : memref<!tpu.dma_semaphore, #tpu.memory_space<semaphore_mem>>)
    tpu.enqueue_dma source(%arg2 : memref<10000xf32, #tpu.memory_space<hbm>>) target(%arg9 : memref<10000xf32, #tpu.memory_space<vmem>>) target_semaphore(%arg21 : memref<!tpu.dma_semaphore, #tpu.memory_space<semaphore_mem>>)
    tpu.enqueue_dma source(%arg3 : memref<10000xf32, #tpu.memory_space<hbm>>) target(%arg10 : memref<10000xf32, #tpu.memory_space<vmem>>) target_semaphore(%arg21 : memref<!tpu.dma_semaphore, #tpu.memory_space<semaphore_mem>>)
    tpu.enqueue_dma source(%arg4 : memref<10000xf32, #tpu.memory_space<hbm>>) target(%arg11 : memref<10000xf32, #tpu.memory_space<vmem>>) target_semaphore(%arg21 : memref<!tpu.dma_semaphore, #tpu.memory_space<semaphore_mem>>)
    %broadcast_in_dim3A = arith.constant 0.000000e+00 : f32
    %broadcast_in_dim3A_95 = vector.broadcast %broadcast_in_dim3A : f32 to vector<16xf32>
    %parallel_loop3A = arith.constant 0 : i32
    %parallel_loop3A_96 = arith.constant 1920 : i32
    %parallel_loop3A_97 = arith.constant 1 : i32
    scf.for %parallel_loop3A_174 = %parallel_loop3A to %parallel_loop3A_96 step %parallel_loop3A_97  : i32 {
      %parallel_loop3A_175 = arith.constant 16 : i32
      %parallel_loop3A_176 = arith.muli %parallel_loop3A_174, %parallel_loop3A_175 : i32
      %parallel_loop3A_177 = arith.index_cast %parallel_loop3A_176 : i32 to index
      %parallel_loop3A_178 = tpu.vector_load %arg12[%parallel_loop3A_177] {strides = array<i32>} : memref<30720xf32, #tpu.memory_space<vmem>>, vector<16xf32>,
      tpu.vector_store %arg12[%parallel_loop3A_177], %broadcast_in_dim3A_95 {strides = array<i32>} : memref<30720xf32, #tpu.memory_space<vmem>>, vector<16xf32>,
    } {sc.loop_unroll_factor = 8 : i64, sc.parallel_access}
    tpu.wait_dma2 semaphore(%arg21 : memref<!tpu.dma_semaphore, #tpu.memory_space<semaphore_mem>>) src(%arg2 : memref<10000xf32, #tpu.memory_space<hbm>>) dst(%arg9 : memref<10000xf32, #tpu.memory_space<vmem>>)
    tpu.wait_dma2 semaphore(%arg21 : memref<!tpu.dma_semaphore, #tpu.memory_space<semaphore_mem>>) src(%arg3 : memref<10000xf32, #tpu.memory_space<hbm>>) dst(%arg10 : memref<10000xf32, #tpu.memory_space<vmem>>)
    tpu.wait_dma2 semaphore(%arg21 : memref<!tpu.dma_semaphore, #tpu.memory_space<semaphore_mem>>) src(%arg4 : memref<10000xf32, #tpu.memory_space<hbm>>) dst(%arg11 : memref<10000xf32, #tpu.memory_space<vmem>>)
    %broadcast_in_dim3A_98 = arith.constant 10240 : i32
    %broadcast_in_dim3A_99 = vector.broadcast %broadcast_in_dim3A_98 : i32 to vector<16xi32>
    %broadcast_in_dim3A_100 = arith.constant 20480 : i32
    %broadcast_in_dim3A_101 = vector.broadcast %broadcast_in_dim3A_100 : i32 to vector<16xi32>
    %broadcast_in_dim3A_102 = arith.constant 0.000000e+00 : f32
    %broadcast_in_dim3A_103 = vector.broadcast %broadcast_in_dim3A_102 : f32 to vector<16xf32>
    %scan3A = arith.constant 0 : i32
    %scan3A_104 = arith.constant 5 : i32
    %scan3A_105 = arith.addi %scan3A, %scan3A_104 : i32
    %scan3A_106 = arith.constant 1 : i32
    %scan3A_107 = scf.for %scan3A_174 = %scan3A to %scan3A_105 step %scan3A_106 iter_args(%scan3A_175 = %broadcast_in_dim3A_103) -> (vector<16xf32>)  : i32 {
      %mul3A_176 = arith.constant 2 : i32
      %mul3A_177 = arith.muli %mul3A_176, %scan3A_174 : i32
      %mul3A_178 = arith.constant 2000 : i32
      %mul3A_179 = arith.muli %mul3A_177, %mul3A_178 : i32
      %add3A_180 = arith.addi %mul3A_2, %mul3A_179 : i32
      %dma_wait3A = arith.constant 0 : i32
      %dma_wait3A_181 = arith.constant 0 : i32
      %dma_wait3A_182 = tpu.memref_slice %arg13[%dma_wait3A, %dma_wait3A_181] : memref<2x4352xi32, #tpu.memory_space<vmem>> -> memref<2x2176xi32, #tpu.memory_space<vmem>>
      %dma_wait3A_183 = arith.constant 0 : i32
      %dma_wait3A_184 = arith.constant 0 : i32
      %dma_wait3A_185 = tpu.memref_slice %arg5[%dma_wait3A_183, %dma_wait3A_184] : memref<2x640000xi32, #tpu.memory_space<hbm>> -> memref<2x2176xi32, #tpu.memory_space<hbm>>
      %dma_wait3A_186 = arith.constant 0 : i32
      %dma_wait3A_187 = arith.constant 0 : i32
      %dma_wait3A_188 = tpu.memref_slice %arg13[%dma_wait3A_186, %dma_wait3A_187] : memref<2x4352xi32, #tpu.memory_space<vmem>> -> memref<2x2176xi32, #tpu.memory_space<vmem>>
      %dma_wait3A_189 = arith.constant 0 : i32
      %dma_wait3A_190 = arith.constant 0 : i32
      %dma_wait3A_191 = tpu.memref_slice %arg5[%dma_wait3A_189, %dma_wait3A_190] : memref<2x640000xi32, #tpu.memory_space<hbm>> -> memref<2x2176xi32, #tpu.memory_space<hbm>>
      tpu.wait_dma2 semaphore(%arg19 : memref<!tpu.dma_semaphore, #tpu.memory_space<semaphore_mem>>) src(%dma_wait3A_191 : memref<2x2176xi32, #tpu.memory_space<hbm>>) dst(%dma_wait3A_188 : memref<2x2176xi32, #tpu.memory_space<vmem>>)
      %dma_wait3A_192 = arith.constant 0 : i32
      %dma_wait3A_193 = tpu.memref_slice %arg14[%dma_wait3A_192] : memref<4000xf32, #tpu.memory_space<vmem>> -> memref<2000xf32, #tpu.memory_space<vmem>>
      %dma_wait3A_194 = arith.constant 0 : i32
      %dma_wait3A_195 = tpu.memref_slice %arg6[%dma_wait3A_194] : memref<640000xf32, #tpu.memory_space<hbm>> -> memref<2000xf32, #tpu.memory_space<hbm>>
      %dma_wait3A_196 = arith.constant 0 : i32
      %dma_wait3A_197 = tpu.memref_slice %arg14[%dma_wait3A_196] : memref<4000xf32, #tpu.memory_space<vmem>> -> memref<2000xf32, #tpu.memory_space<vmem>>
      %dma_wait3A_198 = arith.constant 0 : i32
      %dma_wait3A_199 = tpu.memref_slice %arg6[%dma_wait3A_198] : memref<640000xf32, #tpu.memory_space<hbm>> -> memref<2000xf32, #tpu.memory_space<hbm>>
      tpu.wait_dma2 semaphore(%arg19 : memref<!tpu.dma_semaphore, #tpu.memory_space<semaphore_mem>>) src(%dma_wait3A_199 : memref<2000xf32, #tpu.memory_space<hbm>>) dst(%dma_wait3A_197 : memref<2000xf32, #tpu.memory_space<vmem>>)
      %dma_wait3A_200 = arith.constant 0 : i32
      %dma_wait3A_201 = tpu.memref_slice %arg15[%dma_wait3A_200] : memref<4000xf32, #tpu.memory_space<vmem>> -> memref<2000xf32, #tpu.memory_space<vmem>>
      %dma_wait3A_202 = arith.constant 0 : i32
      %dma_wait3A_203 = tpu.memref_slice %arg7[%dma_wait3A_202] : memref<640000xf32, #tpu.memory_space<hbm>> -> memref<2000xf32, #tpu.memory_space<hbm>>
      %dma_wait3A_204 = arith.constant 0 : i32
      %dma_wait3A_205 = tpu.memref_slice %arg15[%dma_wait3A_204] : memref<4000xf32, #tpu.memory_space<vmem>> -> memref<2000xf32, #tpu.memory_space<vmem>>
      %dma_wait3A_206 = arith.constant 0 : i32
      %dma_wait3A_207 = tpu.memref_slice %arg7[%dma_wait3A_206] : memref<640000xf32, #tpu.memory_space<hbm>> -> memref<2000xf32, #tpu.memory_space<hbm>>
      tpu.wait_dma2 semaphore(%arg19 : memref<!tpu.dma_semaphore, #tpu.memory_space<semaphore_mem>>) src(%dma_wait3A_207 : memref<2000xf32, #tpu.memory_space<hbm>>) dst(%dma_wait3A_205 : memref<2000xf32, #tpu.memory_space<vmem>>)
      %jit3A_208 = arith.constant 128 : i32
      %div3A_209 = arith.divsi %add3A_180, %jit3A_208 : i32
      %sign3A_210 = arith.constant 0 : i32
      %sign3A_211 = arith.cmpi sgt, %add3A_180, %sign3A_210 : i32
      %sign3A_212 = arith.extui %sign3A_211 : i1 to i32
      %sign3A_213 = arith.constant 0 : i32
      %sign3A_214 = arith.cmpi slt, %add3A_180, %sign3A_213 : i32
      %sign3A_215 = arith.extui %sign3A_214 : i1 to i32
      %sign3A_216 = arith.subi %sign3A_212, %sign3A_215 : i32
      %sign3A_217 = arith.constant 0 : i32
      %sign3A_218 = arith.cmpi sgt, %jit3A_208, %sign3A_217 : i32
      %sign3A_219 = arith.extui %sign3A_218 : i1 to i32
      %sign3A_220 = arith.constant 0 : i32
      %sign3A_221 = arith.cmpi slt, %jit3A_208, %sign3A_220 : i32
      %sign3A_222 = arith.extui %sign3A_221 : i1 to i32
      %sign3A_223 = arith.subi %sign3A_219, %sign3A_222 : i32
      %ne3A_224 = arith.cmpi ne, %sign3A_216, %sign3A_223 : i32
      %rem3A_225 = arith.remsi %add3A_180, %jit3A_208 : i32
      %ne3A_226 = arith.constant 0 : i32
      %ne3A_227 = arith.cmpi ne, %rem3A_225, %ne3A_226 : i32
      %and3A_228 = arith.andi %ne3A_224, %ne3A_227 : i1
      %sub3A_229 = arith.constant 1 : i32
      %sub3A_230 = arith.subi %div3A_209, %sub3A_229 : i32
      %select_n3A_231 = arith.select %and3A_228, %sub3A_230, %div3A_209 : i32
      %mul3A_232 = arith.constant 128 : i32
      %mul3A_233 = arith.muli %select_n3A_231, %mul3A_232 : i32
      %min3A_234 = arith.constant 637824 : i32
      %min3A_235 = arith.minsi %mul3A_233, %min3A_234 : i32
      %sub3A_236 = arith.subi %add3A_180, %min3A_235 : i32
      %add3A_237 = arith.constant 0 : i32
      %add3A_238 = arith.addi %add3A_237, %sub3A_236 : i32
      %parallel_loop3A_239 = arith.constant 0 : i32
      %parallel_loop3A_240 = arith.constant 125 : i32
      %parallel_loop3A_241 = arith.constant 1 : i32
      %parallel_loop3A_242 = scf.for %parallel_loop3A_316 = %parallel_loop3A_239 to %parallel_loop3A_240 step %parallel_loop3A_241 iter_args(%parallel_loop3A_317 = %scan3A_175) -> (vector<16xf32>)  : i32 {
        %parallel_loop3A_318 = arith.constant 16 : i32
        %parallel_loop3A_319 = arith.muli %parallel_loop3A_316, %parallel_loop3A_318 : i32
        %parallel_loop3A_320 = arith.constant 0 : i32
        %parallel_loop3A_321 = arith.addi %parallel_loop3A_320, %parallel_loop3A_319 : i32
        %parallel_loop3A_322 = arith.constant 16 : i32
        %parallel_loop3A_323 = arith.muli %parallel_loop3A_316, %parallel_loop3A_322 : i32
        %parallel_loop3A_324 = arith.addi %add3A_238, %parallel_loop3A_323 : i32
        %parallel_loop3A_325 = arith.constant 0 : i32
        %parallel_loop3A_326 = arith.index_cast %parallel_loop3A_325 : i32 to index
        %parallel_loop3A_327 = arith.index_cast %parallel_loop3A_324 : i32 to index
        %parallel_loop3A_328 = tpu.vector_load %arg13[%parallel_loop3A_326, %parallel_loop3A_327] {strides = array<i32>} : memref<2x4352xi32, #tpu.memory_space<vmem>>, vector<16xi32>,
        %parallel_loop3A_329 = arith.constant 1 : i32
        %parallel_loop3A_330 = arith.index_cast %parallel_loop3A_329 : i32 to index
        %parallel_loop3A_331 = arith.index_cast %parallel_loop3A_324 : i32 to index
        %parallel_loop3A_332 = tpu.vector_load %arg13[%parallel_loop3A_330, %parallel_loop3A_331] {strides = array<i32>} : memref<2x4352xi32, #tpu.memory_space<vmem>>, vector<16xi32>,
        %parallel_loop3A_333 = arith.index_cast %parallel_loop3A_321 : i32 to index
        %parallel_loop3A_334 = tpu.vector_load %arg14[%parallel_loop3A_333] {strides = array<i32>} : memref<4000xf32, #tpu.memory_space<vmem>>, vector<16xf32>,
        %parallel_loop3A_335 = arith.index_cast %parallel_loop3A_321 : i32 to index
        %parallel_loop3A_336 = tpu.vector_load %arg15[%parallel_loop3A_335] {strides = array<i32>} : memref<4000xf32, #tpu.memory_space<vmem>>, vector<16xf32>,
        %parallel_loop3A_337 = tpu.vector_load_idx %arg9[%parallel_loop3A_328] : memref<10000xf32, #tpu.memory_space<vmem>>[vector<16xi32>], vector<16xf32>,
        %parallel_loop3A_338 = tpu.vector_load_idx %arg9[%parallel_loop3A_332] : memref<10000xf32, #tpu.memory_space<vmem>>[vector<16xi32>], vector<16xf32>,
        %parallel_loop3A_339 = arith.subf %parallel_loop3A_337, %parallel_loop3A_338 : vector<16xf32>
        %parallel_loop3A_340 = tpu.vector_load_idx %arg10[%parallel_loop3A_328] : memref<10000xf32, #tpu.memory_space<vmem>>[vector<16xi32>], vector<16xf32>,
        %parallel_loop3A_341 = tpu.vector_load_idx %arg10[%parallel_loop3A_332] : memref<10000xf32, #tpu.memory_space<vmem>>[vector<16xi32>], vector<16xf32>,
        %parallel_loop3A_342 = arith.subf %parallel_loop3A_340, %parallel_loop3A_341 : vector<16xf32>
        %parallel_loop3A_343 = tpu.vector_load_idx %arg11[%parallel_loop3A_328] : memref<10000xf32, #tpu.memory_space<vmem>>[vector<16xi32>], vector<16xf32>,
        %parallel_loop3A_344 = tpu.vector_load_idx %arg11[%parallel_loop3A_332] : memref<10000xf32, #tpu.memory_space<vmem>>[vector<16xi32>], vector<16xf32>,
        %parallel_loop3A_345 = arith.subf %parallel_loop3A_343, %parallel_loop3A_344 : vector<16xf32>
        %parallel_loop3A_346 = arith.mulf %parallel_loop3A_339, %parallel_loop3A_339 : vector<16xf32>
        %parallel_loop3A_347 = arith.mulf %parallel_loop3A_342, %parallel_loop3A_342 : vector<16xf32>
        %parallel_loop3A_348 = arith.addf %parallel_loop3A_346, %parallel_loop3A_347 : vector<16xf32>
        %parallel_loop3A_349 = arith.mulf %parallel_loop3A_345, %parallel_loop3A_345 : vector<16xf32>
        %parallel_loop3A_350 = arith.addf %parallel_loop3A_348, %parallel_loop3A_349 : vector<16xf32>
        %parallel_loop3A_351 = arith.constant 9.000000e-02 : f32
        %parallel_loop3A_352 = vector.broadcast %parallel_loop3A_351 : f32 to vector<16xf32>
        %parallel_loop3A_353 = arith.maximumf %parallel_loop3A_350, %parallel_loop3A_352 : vector<16xf32>
        %parallel_loop3A_354 = arith.constant 1.000000e+00 : f32
        %parallel_loop3A_355 = vector.broadcast %parallel_loop3A_354 : f32 to vector<16xf32>
        %parallel_loop3A_356 = arith.divf %parallel_loop3A_355, %parallel_loop3A_353 : vector<16xf32>
        %parallel_loop3A_357 = arith.mulf %parallel_loop3A_336, %parallel_loop3A_336 : vector<16xf32>
        %parallel_loop3A_358 = arith.mulf %parallel_loop3A_357, %parallel_loop3A_356 : vector<16xf32>
        %parallel_loop3A_359 = arith.mulf %parallel_loop3A_358, %parallel_loop3A_358 : vector<16xf32>
        %parallel_loop3A_360 = arith.mulf %parallel_loop3A_359, %parallel_loop3A_358 : vector<16xf32>
        %parallel_loop3A_361 = arith.mulf %parallel_loop3A_360, %parallel_loop3A_360 : vector<16xf32>
        %parallel_loop3A_362 = arith.constant 4.000000e+00 : f32
        %parallel_loop3A_363 = vector.broadcast %parallel_loop3A_362 : f32 to vector<16xf32>
        %parallel_loop3A_364 = arith.mulf %parallel_loop3A_363, %parallel_loop3A_334 : vector<16xf32>
        %parallel_loop3A_365 = arith.constant 1.200000e+01 : f32
        %parallel_loop3A_366 = vector.broadcast %parallel_loop3A_365 : f32 to vector<16xf32>
        %parallel_loop3A_367 = arith.mulf %parallel_loop3A_366, %parallel_loop3A_361 : vector<16xf32>
        %parallel_loop3A_368 = arith.constant 6.000000e+00 : f32
        %parallel_loop3A_369 = vector.broadcast %parallel_loop3A_368 : f32 to vector<16xf32>
        %parallel_loop3A_370 = arith.mulf %parallel_loop3A_369, %parallel_loop3A_360 : vector<16xf32>
        %parallel_loop3A_371 = arith.subf %parallel_loop3A_367, %parallel_loop3A_370 : vector<16xf32>
        %parallel_loop3A_372 = arith.mulf %parallel_loop3A_364, %parallel_loop3A_371 : vector<16xf32>
        %parallel_loop3A_373 = arith.mulf %parallel_loop3A_372, %parallel_loop3A_356 : vector<16xf32>
        %parallel_loop3A_374 = arith.mulf %parallel_loop3A_373, %parallel_loop3A_339 : vector<16xf32>
        tpu.vector_store_idx %arg12[%parallel_loop3A_328], %parallel_loop3A_374 {add = true} : memref<30720xf32, #tpu.memory_space<vmem>>[vector<16xi32>], vector<16xf32>,
        %parallel_loop3A_375 = arith.addi %parallel_loop3A_328, %broadcast_in_dim3A_99 : vector<16xi32>
        %parallel_loop3A_376 = arith.mulf %parallel_loop3A_373, %parallel_loop3A_342 : vector<16xf32>
        tpu.vector_store_idx %arg12[%parallel_loop3A_375], %parallel_loop3A_376 {add = true} : memref<30720xf32, #tpu.memory_space<vmem>>[vector<16xi32>], vector<16xf32>,
        %parallel_loop3A_377 = arith.addi %parallel_loop3A_328, %broadcast_in_dim3A_101 : vector<16xi32>
        %parallel_loop3A_378 = arith.mulf %parallel_loop3A_373, %parallel_loop3A_345 : vector<16xf32>
        tpu.vector_store_idx %arg12[%parallel_loop3A_377], %parallel_loop3A_378 {add = true} : memref<30720xf32, #tpu.memory_space<vmem>>[vector<16xi32>], vector<16xf32>,
        %parallel_loop3A_379 = arith.subf %parallel_loop3A_361, %parallel_loop3A_360 : vector<16xf32>
        %parallel_loop3A_380 = arith.mulf %parallel_loop3A_364, %parallel_loop3A_379 : vector<16xf32>
        %parallel_loop3A_381 = arith.addf %parallel_loop3A_317, %parallel_loop3A_380 : vector<16xf32>
        scf.yield %parallel_loop3A_381 : vector<16xf32>
      } {sc.loop_unroll_factor = 5 : i64, sc.parallel_access}
      %lt3A_243 = arith.constant 4 : i32
      %lt3A_244 = arith.cmpi slt, %scan3A_174, %lt3A_243 : i32
      %convert_element_type3A = arith.extui %lt3A_244 : i1 to i32
      %cond3A = arith.constant 0 : i32
      %cond3A_245 = arith.cmpi ne, %convert_element_type3A, %cond3A : i32
      scf.if %cond3A_245 {
        %add3A_316 = arith.constant 4000 : i32
        %add3A_317 = arith.addi %add3A_180, %add3A_316 : i32
        %jit3A_318 = arith.constant 128 : i32
        %div3A_319 = arith.divsi %add3A_317, %jit3A_318 : i32
        %sign3A_320 = arith.constant 0 : i32
        %sign3A_321 = arith.cmpi sgt, %add3A_317, %sign3A_320 : i32
        %sign3A_322 = arith.extui %sign3A_321 : i1 to i32
        %sign3A_323 = arith.constant 0 : i32
        %sign3A_324 = arith.cmpi slt, %add3A_317, %sign3A_323 : i32
        %sign3A_325 = arith.extui %sign3A_324 : i1 to i32
        %sign3A_326 = arith.subi %sign3A_322, %sign3A_325 : i32
        %sign3A_327 = arith.constant 0 : i32
        %sign3A_328 = arith.cmpi sgt, %jit3A_318, %sign3A_327 : i32
        %sign3A_329 = arith.extui %sign3A_328 : i1 to i32
        %sign3A_330 = arith.constant 0 : i32
        %sign3A_331 = arith.cmpi slt, %jit3A_318, %sign3A_330 : i32
        %sign3A_332 = arith.extui %sign3A_331 : i1 to i32
        %sign3A_333 = arith.subi %sign3A_329, %sign3A_332 : i32
        %ne3A_334 = arith.cmpi ne, %sign3A_326, %sign3A_333 : i32
        %rem3A_335 = arith.remsi %add3A_317, %jit3A_318 : i32
        %ne3A_336 = arith.constant 0 : i32
        %ne3A_337 = arith.cmpi ne, %rem3A_335, %ne3A_336 : i32
        %and3A_338 = arith.andi %ne3A_334, %ne3A_337 : i1
        %sub3A_339 = arith.constant 1 : i32
        %sub3A_340 = arith.subi %div3A_319, %sub3A_339 : i32
        %select_n3A_341 = arith.select %and3A_338, %sub3A_340, %div3A_319 : i32
        %mul3A_342 = arith.constant 128 : i32
        %mul3A_343 = arith.muli %select_n3A_341, %mul3A_342 : i32
        %min3A_344 = arith.constant 637824 : i32
        %min3A_345 = arith.minsi %mul3A_343, %min3A_344 : i32
        %dma_start3A_346 = arith.constant 0 : i32
        %dma_start3A_347 = arith.constant 0 : i32
        %dma_start3A_348 = tpu.memref_slice %arg13[%dma_start3A_346, %dma_start3A_347] : memref<2x4352xi32, #tpu.memory_space<vmem>> -> memref<2x2176xi32, #tpu.memory_space<vmem>>
        %dma_start3A_349 = arith.constant 0 : i32
        %dma_start3A_350 = tpu.memref_slice %arg5[%dma_start3A_349, %min3A_345] : memref<2x640000xi32, #tpu.memory_space<hbm>> -> memref<2x2176xi32, #tpu.memory_space<hbm>>
        %dma_start3A_351 = arith.constant 0 : i32
        %dma_start3A_352 = arith.constant 0 : i32
        %dma_start3A_353 = tpu.memref_slice %arg13[%dma_start3A_351, %dma_start3A_352] : memref<2x4352xi32, #tpu.memory_space<vmem>> -> memref<2x2176xi32, #tpu.memory_space<vmem>>
        %dma_start3A_354 = arith.constant 0 : i32
        %dma_start3A_355 = tpu.memref_slice %arg5[%dma_start3A_354, %min3A_345] : memref<2x640000xi32, #tpu.memory_space<hbm>> -> memref<2x2176xi32, #tpu.memory_space<hbm>>
        tpu.enqueue_dma source(%dma_start3A_355 : memref<2x2176xi32, #tpu.memory_space<hbm>>) target(%dma_start3A_353 : memref<2x2176xi32, #tpu.memory_space<vmem>>) target_semaphore(%arg19 : memref<!tpu.dma_semaphore, #tpu.memory_space<semaphore_mem>>)
        %dma_start3A_356 = arith.constant 0 : i32
        %dma_start3A_357 = tpu.memref_slice %arg14[%dma_start3A_356] : memref<4000xf32, #tpu.memory_space<vmem>> -> memref<2000xf32, #tpu.memory_space<vmem>>
        %dma_start3A_358 = tpu.memref_slice %arg6[%add3A_317] : memref<640000xf32, #tpu.memory_space<hbm>> -> memref<2000xf32, #tpu.memory_space<hbm>>
        %dma_start3A_359 = arith.constant 0 : i32
        %dma_start3A_360 = tpu.memref_slice %arg14[%dma_start3A_359] : memref<4000xf32, #tpu.memory_space<vmem>> -> memref<2000xf32, #tpu.memory_space<vmem>>
        %dma_start3A_361 = tpu.memref_slice %arg6[%add3A_317] : memref<640000xf32, #tpu.memory_space<hbm>> -> memref<2000xf32, #tpu.memory_space<hbm>>
        tpu.enqueue_dma source(%dma_start3A_361 : memref<2000xf32, #tpu.memory_space<hbm>>) target(%dma_start3A_360 : memref<2000xf32, #tpu.memory_space<vmem>>) target_semaphore(%arg19 : memref<!tpu.dma_semaphore, #tpu.memory_space<semaphore_mem>>)
        %dma_start3A_362 = arith.constant 0 : i32
        %dma_start3A_363 = tpu.memref_slice %arg15[%dma_start3A_362] : memref<4000xf32, #tpu.memory_space<vmem>> -> memref<2000xf32, #tpu.memory_space<vmem>>
        %dma_start3A_364 = tpu.memref_slice %arg7[%add3A_317] : memref<640000xf32, #tpu.memory_space<hbm>> -> memref<2000xf32, #tpu.memory_space<hbm>>
        %dma_start3A_365 = arith.constant 0 : i32
        %dma_start3A_366 = tpu.memref_slice %arg15[%dma_start3A_365] : memref<4000xf32, #tpu.memory_space<vmem>> -> memref<2000xf32, #tpu.memory_space<vmem>>
        %dma_start3A_367 = tpu.memref_slice %arg7[%add3A_317] : memref<640000xf32, #tpu.memory_space<hbm>> -> memref<2000xf32, #tpu.memory_space<hbm>>
        tpu.enqueue_dma source(%dma_start3A_367 : memref<2000xf32, #tpu.memory_space<hbm>>) target(%dma_start3A_366 : memref<2000xf32, #tpu.memory_space<vmem>>) target_semaphore(%arg19 : memref<!tpu.dma_semaphore, #tpu.memory_space<semaphore_mem>>)
      } else {
      }
      %dma_wait3A_246 = arith.constant 0 : i32
      %dma_wait3A_247 = arith.constant 2176 : i32
      %dma_wait3A_248 = tpu.memref_slice %arg13[%dma_wait3A_246, %dma_wait3A_247] : memref<2x4352xi32, #tpu.memory_space<vmem>> -> memref<2x2176xi32, #tpu.memory_space<vmem>>
      %dma_wait3A_249 = arith.constant 0 : i32
      %dma_wait3A_250 = arith.constant 0 : i32
      %dma_wait3A_251 = tpu.memref_slice %arg5[%dma_wait3A_249, %dma_wait3A_250] : memref<2x640000xi32, #tpu.memory_space<hbm>> -> memref<2x2176xi32, #tpu.memory_space<hbm>>
      %dma_wait3A_252 = arith.constant 0 : i32
      %dma_wait3A_253 = arith.constant 2176 : i32
      %dma_wait3A_254 = tpu.memref_slice %arg13[%dma_wait3A_252, %dma_wait3A_253] : memref<2x4352xi32, #tpu.memory_space<vmem>> -> memref<2x2176xi32, #tpu.memory_space<vmem>>
      %dma_wait3A_255 = arith.constant 0 : i32
      %dma_wait3A_256 = arith.constant 0 : i32
      %dma_wait3A_257 = tpu.memref_slice %arg5[%dma_wait3A_255, %dma_wait3A_256] : memref<2x640000xi32, #tpu.memory_space<hbm>> -> memref<2x2176xi32, #tpu.memory_space<hbm>>
      tpu.wait_dma2 semaphore(%arg20 : memref<!tpu.dma_semaphore, #tpu.memory_space<semaphore_mem>>) src(%dma_wait3A_257 : memref<2x2176xi32, #tpu.memory_space<hbm>>) dst(%dma_wait3A_254 : memref<2x2176xi32, #tpu.memory_space<vmem>>)
      %dma_wait3A_258 = arith.constant 2000 : i32
      %dma_wait3A_259 = tpu.memref_slice %arg14[%dma_wait3A_258] : memref<4000xf32, #tpu.memory_space<vmem>> -> memref<2000xf32, #tpu.memory_space<vmem>>
      %dma_wait3A_260 = arith.constant 0 : i32
      %dma_wait3A_261 = tpu.memref_slice %arg6[%dma_wait3A_260] : memref<640000xf32, #tpu.memory_space<hbm>> -> memref<2000xf32, #tpu.memory_space<hbm>>
      %dma_wait3A_262 = arith.constant 2000 : i32
      %dma_wait3A_263 = tpu.memref_slice %arg14[%dma_wait3A_262] : memref<4000xf32, #tpu.memory_space<vmem>> -> memref<2000xf32, #tpu.memory_space<vmem>>
      %dma_wait3A_264 = arith.constant 0 : i32
      %dma_wait3A_265 = tpu.memref_slice %arg6[%dma_wait3A_264] : memref<640000xf32, #tpu.memory_space<hbm>> -> memref<2000xf32, #tpu.memory_space<hbm>>
      tpu.wait_dma2 semaphore(%arg20 : memref<!tpu.dma_semaphore, #tpu.memory_space<semaphore_mem>>) src(%dma_wait3A_265 : memref<2000xf32, #tpu.memory_space<hbm>>) dst(%dma_wait3A_263 : memref<2000xf32, #tpu.memory_space<vmem>>)
      %dma_wait3A_266 = arith.constant 2000 : i32
      %dma_wait3A_267 = tpu.memref_slice %arg15[%dma_wait3A_266] : memref<4000xf32, #tpu.memory_space<vmem>> -> memref<2000xf32, #tpu.memory_space<vmem>>
      %dma_wait3A_268 = arith.constant 0 : i32
      %dma_wait3A_269 = tpu.memref_slice %arg7[%dma_wait3A_268] : memref<640000xf32, #tpu.memory_space<hbm>> -> memref<2000xf32, #tpu.memory_space<hbm>>
      %dma_wait3A_270 = arith.constant 2000 : i32
      %dma_wait3A_271 = tpu.memref_slice %arg15[%dma_wait3A_270] : memref<4000xf32, #tpu.memory_space<vmem>> -> memref<2000xf32, #tpu.memory_space<vmem>>
      %dma_wait3A_272 = arith.constant 0 : i32
      %dma_wait3A_273 = tpu.memref_slice %arg7[%dma_wait3A_272] : memref<640000xf32, #tpu.memory_space<hbm>> -> memref<2000xf32, #tpu.memory_space<hbm>>
      tpu.wait_dma2 semaphore(%arg20 : memref<!tpu.dma_semaphore, #tpu.memory_space<semaphore_mem>>) src(%dma_wait3A_273 : memref<2000xf32, #tpu.memory_space<hbm>>) dst(%dma_wait3A_271 : memref<2000xf32, #tpu.memory_space<vmem>>)
      %add3A_274 = arith.constant 2000 : i32
      %add3A_275 = arith.addi %add3A_180, %add3A_274 : i32
      %jit3A_276 = arith.constant 128 : i32
      %div3A_277 = arith.divsi %add3A_275, %jit3A_276 : i32
      %sign3A_278 = arith.constant 0 : i32
      %sign3A_279 = arith.cmpi sgt, %add3A_275, %sign3A_278 : i32
      %sign3A_280 = arith.extui %sign3A_279 : i1 to i32
      %sign3A_281 = arith.constant 0 : i32
      %sign3A_282 = arith.cmpi slt, %add3A_275, %sign3A_281 : i32
      %sign3A_283 = arith.extui %sign3A_282 : i1 to i32
      %sign3A_284 = arith.subi %sign3A_280, %sign3A_283 : i32
      %sign3A_285 = arith.constant 0 : i32
      %sign3A_286 = arith.cmpi sgt, %jit3A_276, %sign3A_285 : i32
      %sign3A_287 = arith.extui %sign3A_286 : i1 to i32
      %sign3A_288 = arith.constant 0 : i32
      %sign3A_289 = arith.cmpi slt, %jit3A_276, %sign3A_288 : i32
      %sign3A_290 = arith.extui %sign3A_289 : i1 to i32
      %sign3A_291 = arith.subi %sign3A_287, %sign3A_290 : i32
      %ne3A_292 = arith.cmpi ne, %sign3A_284, %sign3A_291 : i32
      %rem3A_293 = arith.remsi %add3A_275, %jit3A_276 : i32
      %ne3A_294 = arith.constant 0 : i32
      %ne3A_295 = arith.cmpi ne, %rem3A_293, %ne3A_294 : i32
      %and3A_296 = arith.andi %ne3A_292, %ne3A_295 : i1
      %sub3A_297 = arith.constant 1 : i32
      %sub3A_298 = arith.subi %div3A_277, %sub3A_297 : i32
      %select_n3A_299 = arith.select %and3A_296, %sub3A_298, %div3A_277 : i32
      %mul3A_300 = arith.constant 128 : i32
      %mul3A_301 = arith.muli %select_n3A_299, %mul3A_300 : i32
      %min3A_302 = arith.constant 637824 : i32
      %min3A_303 = arith.minsi %mul3A_301, %min3A_302 : i32
      %sub3A_304 = arith.subi %add3A_275, %min3A_303 : i32
      %add3A_305 = arith.constant 2176 : i32
      %add3A_306 = arith.addi %add3A_305, %sub3A_304 : i32
      %parallel_loop3A_307 = arith.constant 0 : i32
      %parallel_loop3A_308 = arith.constant 125 : i32
      %parallel_loop3A_309 = arith.constant 1 : i32
      %parallel_loop3A_310 = scf.for %parallel_loop3A_316 = %parallel_loop3A_307 to %parallel_loop3A_308 step %parallel_loop3A_309 iter_args(%parallel_loop3A_317 = %parallel_loop3A_242) -> (vector<16xf32>)  : i32 {
        %parallel_loop3A_318 = arith.constant 16 : i32
        %parallel_loop3A_319 = arith.muli %parallel_loop3A_316, %parallel_loop3A_318 : i32
        %parallel_loop3A_320 = arith.constant 2000 : i32
        %parallel_loop3A_321 = arith.addi %parallel_loop3A_320, %parallel_loop3A_319 : i32
        %parallel_loop3A_322 = arith.constant 16 : i32
        %parallel_loop3A_323 = arith.muli %parallel_loop3A_316, %parallel_loop3A_322 : i32
        %parallel_loop3A_324 = arith.addi %add3A_306, %parallel_loop3A_323 : i32
        %parallel_loop3A_325 = arith.constant 0 : i32
        %parallel_loop3A_326 = arith.index_cast %parallel_loop3A_325 : i32 to index
        %parallel_loop3A_327 = arith.index_cast %parallel_loop3A_324 : i32 to index
        %parallel_loop3A_328 = tpu.vector_load %arg13[%parallel_loop3A_326, %parallel_loop3A_327] {strides = array<i32>} : memref<2x4352xi32, #tpu.memory_space<vmem>>, vector<16xi32>,
        %parallel_loop3A_329 = arith.constant 1 : i32
        %parallel_loop3A_330 = arith.index_cast %parallel_loop3A_329 : i32 to index
        %parallel_loop3A_331 = arith.index_cast %parallel_loop3A_324 : i32 to index
        %parallel_loop3A_332 = tpu.vector_load %arg13[%parallel_loop3A_330, %parallel_loop3A_331] {strides = array<i32>} : memref<2x4352xi32, #tpu.memory_space<vmem>>, vector<16xi32>,
        %parallel_loop3A_333 = arith.index_cast %parallel_loop3A_321 : i32 to index
        %parallel_loop3A_334 = tpu.vector_load %arg14[%parallel_loop3A_333] {strides = array<i32>} : memref<4000xf32, #tpu.memory_space<vmem>>, vector<16xf32>,
        %parallel_loop3A_335 = arith.index_cast %parallel_loop3A_321 : i32 to index
        %parallel_loop3A_336 = tpu.vector_load %arg15[%parallel_loop3A_335] {strides = array<i32>} : memref<4000xf32, #tpu.memory_space<vmem>>, vector<16xf32>,
        %parallel_loop3A_337 = tpu.vector_load_idx %arg9[%parallel_loop3A_328] : memref<10000xf32, #tpu.memory_space<vmem>>[vector<16xi32>], vector<16xf32>,
        %parallel_loop3A_338 = tpu.vector_load_idx %arg9[%parallel_loop3A_332] : memref<10000xf32, #tpu.memory_space<vmem>>[vector<16xi32>], vector<16xf32>,
        %parallel_loop3A_339 = arith.subf %parallel_loop3A_337, %parallel_loop3A_338 : vector<16xf32>
        %parallel_loop3A_340 = tpu.vector_load_idx %arg10[%parallel_loop3A_328] : memref<10000xf32, #tpu.memory_space<vmem>>[vector<16xi32>], vector<16xf32>,
        %parallel_loop3A_341 = tpu.vector_load_idx %arg10[%parallel_loop3A_332] : memref<10000xf32, #tpu.memory_space<vmem>>[vector<16xi32>], vector<16xf32>,
        %parallel_loop3A_342 = arith.subf %parallel_loop3A_340, %parallel_loop3A_341 : vector<16xf32>
        %parallel_loop3A_343 = tpu.vector_load_idx %arg11[%parallel_loop3A_328] : memref<10000xf32, #tpu.memory_space<vmem>>[vector<16xi32>], vector<16xf32>,
        %parallel_loop3A_344 = tpu.vector_load_idx %arg11[%parallel_loop3A_332] : memref<10000xf32, #tpu.memory_space<vmem>>[vector<16xi32>], vector<16xf32>,
        %parallel_loop3A_345 = arith.subf %parallel_loop3A_343, %parallel_loop3A_344 : vector<16xf32>
        %parallel_loop3A_346 = arith.mulf %parallel_loop3A_339, %parallel_loop3A_339 : vector<16xf32>
        %parallel_loop3A_347 = arith.mulf %parallel_loop3A_342, %parallel_loop3A_342 : vector<16xf32>
        %parallel_loop3A_348 = arith.addf %parallel_loop3A_346, %parallel_loop3A_347 : vector<16xf32>
        %parallel_loop3A_349 = arith.mulf %parallel_loop3A_345, %parallel_loop3A_345 : vector<16xf32>
        %parallel_loop3A_350 = arith.addf %parallel_loop3A_348, %parallel_loop3A_349 : vector<16xf32>
        %parallel_loop3A_351 = arith.constant 9.000000e-02 : f32
        %parallel_loop3A_352 = vector.broadcast %parallel_loop3A_351 : f32 to vector<16xf32>
        %parallel_loop3A_353 = arith.maximumf %parallel_loop3A_350, %parallel_loop3A_352 : vector<16xf32>
        %parallel_loop3A_354 = arith.constant 1.000000e+00 : f32
        %parallel_loop3A_355 = vector.broadcast %parallel_loop3A_354 : f32 to vector<16xf32>
        %parallel_loop3A_356 = arith.divf %parallel_loop3A_355, %parallel_loop3A_353 : vector<16xf32>
        %parallel_loop3A_357 = arith.mulf %parallel_loop3A_336, %parallel_loop3A_336 : vector<16xf32>
        %parallel_loop3A_358 = arith.mulf %parallel_loop3A_357, %parallel_loop3A_356 : vector<16xf32>
        %parallel_loop3A_359 = arith.mulf %parallel_loop3A_358, %parallel_loop3A_358 : vector<16xf32>
        %parallel_loop3A_360 = arith.mulf %parallel_loop3A_359, %parallel_loop3A_358 : vector<16xf32>
        %parallel_loop3A_361 = arith.mulf %parallel_loop3A_360, %parallel_loop3A_360 : vector<16xf32>
        %parallel_loop3A_362 = arith.constant 4.000000e+00 : f32
        %parallel_loop3A_363 = vector.broadcast %parallel_loop3A_362 : f32 to vector<16xf32>
        %parallel_loop3A_364 = arith.mulf %parallel_loop3A_363, %parallel_loop3A_334 : vector<16xf32>
        %parallel_loop3A_365 = arith.constant 1.200000e+01 : f32
        %parallel_loop3A_366 = vector.broadcast %parallel_loop3A_365 : f32 to vector<16xf32>
        %parallel_loop3A_367 = arith.mulf %parallel_loop3A_366, %parallel_loop3A_361 : vector<16xf32>
        %parallel_loop3A_368 = arith.constant 6.000000e+00 : f32
        %parallel_loop3A_369 = vector.broadcast %parallel_loop3A_368 : f32 to vector<16xf32>
        %parallel_loop3A_370 = arith.mulf %parallel_loop3A_369, %parallel_loop3A_360 : vector<16xf32>
        %parallel_loop3A_371 = arith.subf %parallel_loop3A_367, %parallel_loop3A_370 : vector<16xf32>
        %parallel_loop3A_372 = arith.mulf %parallel_loop3A_364, %parallel_loop3A_371 : vector<16xf32>
        %parallel_loop3A_373 = arith.mulf %parallel_loop3A_372, %parallel_loop3A_356 : vector<16xf32>
        %parallel_loop3A_374 = arith.mulf %parallel_loop3A_373, %parallel_loop3A_339 : vector<16xf32>
        tpu.vector_store_idx %arg12[%parallel_loop3A_328], %parallel_loop3A_374 {add = true} : memref<30720xf32, #tpu.memory_space<vmem>>[vector<16xi32>], vector<16xf32>,
        %parallel_loop3A_375 = arith.addi %parallel_loop3A_328, %broadcast_in_dim3A_99 : vector<16xi32>
        %parallel_loop3A_376 = arith.mulf %parallel_loop3A_373, %parallel_loop3A_342 : vector<16xf32>
        tpu.vector_store_idx %arg12[%parallel_loop3A_375], %parallel_loop3A_376 {add = true} : memref<30720xf32, #tpu.memory_space<vmem>>[vector<16xi32>], vector<16xf32>,
        %parallel_loop3A_377 = arith.addi %parallel_loop3A_328, %broadcast_in_dim3A_101 : vector<16xi32>
        %parallel_loop3A_378 = arith.mulf %parallel_loop3A_373, %parallel_loop3A_345 : vector<16xf32>
        tpu.vector_store_idx %arg12[%parallel_loop3A_377], %parallel_loop3A_378 {add = true} : memref<30720xf32, #tpu.memory_space<vmem>>[vector<16xi32>], vector<16xf32>,
        %parallel_loop3A_379 = arith.subf %parallel_loop3A_361, %parallel_loop3A_360 : vector<16xf32>
        %parallel_loop3A_380 = arith.mulf %parallel_loop3A_364, %parallel_loop3A_379 : vector<16xf32>
        %parallel_loop3A_381 = arith.addf %parallel_loop3A_317, %parallel_loop3A_380 : vector<16xf32>
        scf.yield %parallel_loop3A_381 : vector<16xf32>
      } {sc.loop_unroll_factor = 5 : i64, sc.parallel_access}
      %lt3A_311 = arith.constant 4 : i32
      %lt3A_312 = arith.cmpi slt, %scan3A_174, %lt3A_311 : i32
      %convert_element_type3A_313 = arith.extui %lt3A_312 : i1 to i32
      %cond3A_314 = arith.constant 0 : i32
      %cond3A_315 = arith.cmpi ne, %convert_element_type3A_313, %cond3A_314 : i32
      scf.if %cond3A_315 {
        %add3A_316 = arith.constant 6000 : i32
        %add3A_317 = arith.addi %add3A_180, %add3A_316 : i32
        %jit3A_318 = arith.constant 128 : i32
        %div3A_319 = arith.divsi %add3A_317, %jit3A_318 : i32
        %sign3A_320 = arith.constant 0 : i32
        %sign3A_321 = arith.cmpi sgt, %add3A_317, %sign3A_320 : i32
        %sign3A_322 = arith.extui %sign3A_321 : i1 to i32
        %sign3A_323 = arith.constant 0 : i32
        %sign3A_324 = arith.cmpi slt, %add3A_317, %sign3A_323 : i32
        %sign3A_325 = arith.extui %sign3A_324 : i1 to i32
        %sign3A_326 = arith.subi %sign3A_322, %sign3A_325 : i32
        %sign3A_327 = arith.constant 0 : i32
        %sign3A_328 = arith.cmpi sgt, %jit3A_318, %sign3A_327 : i32
        %sign3A_329 = arith.extui %sign3A_328 : i1 to i32
        %sign3A_330 = arith.constant 0 : i32
        %sign3A_331 = arith.cmpi slt, %jit3A_318, %sign3A_330 : i32
        %sign3A_332 = arith.extui %sign3A_331 : i1 to i32
        %sign3A_333 = arith.subi %sign3A_329, %sign3A_332 : i32
        %ne3A_334 = arith.cmpi ne, %sign3A_326, %sign3A_333 : i32
        %rem3A_335 = arith.remsi %add3A_317, %jit3A_318 : i32
        %ne3A_336 = arith.constant 0 : i32
        %ne3A_337 = arith.cmpi ne, %rem3A_335, %ne3A_336 : i32
        %and3A_338 = arith.andi %ne3A_334, %ne3A_337 : i1
        %sub3A_339 = arith.constant 1 : i32
        %sub3A_340 = arith.subi %div3A_319, %sub3A_339 : i32
        %select_n3A_341 = arith.select %and3A_338, %sub3A_340, %div3A_319 : i32
        %mul3A_342 = arith.constant 128 : i32
        %mul3A_343 = arith.muli %select_n3A_341, %mul3A_342 : i32
        %min3A_344 = arith.constant 637824 : i32
        %min3A_345 = arith.minsi %mul3A_343, %min3A_344 : i32
        %dma_start3A_346 = arith.constant 0 : i32
        %dma_start3A_347 = arith.constant 2176 : i32
        %dma_start3A_348 = tpu.memref_slice %arg13[%dma_start3A_346, %dma_start3A_347] : memref<2x4352xi32, #tpu.memory_space<vmem>> -> memref<2x2176xi32, #tpu.memory_space<vmem>>
        %dma_start3A_349 = arith.constant 0 : i32
        %dma_start3A_350 = tpu.memref_slice %arg5[%dma_start3A_349, %min3A_345] : memref<2x640000xi32, #tpu.memory_space<hbm>> -> memref<2x2176xi32, #tpu.memory_space<hbm>>
        %dma_start3A_351 = arith.constant 0 : i32
        %dma_start3A_352 = arith.constant 2176 : i32
        %dma_start3A_353 = tpu.memref_slice %arg13[%dma_start3A_351, %dma_start3A_352] : memref<2x4352xi32, #tpu.memory_space<vmem>> -> memref<2x2176xi32, #tpu.memory_space<vmem>>
        %dma_start3A_354 = arith.constant 0 : i32
        %dma_start3A_355 = tpu.memref_slice %arg5[%dma_start3A_354, %min3A_345] : memref<2x640000xi32, #tpu.memory_space<hbm>> -> memref<2x2176xi32, #tpu.memory_space<hbm>>
        tpu.enqueue_dma source(%dma_start3A_355 : memref<2x2176xi32, #tpu.memory_space<hbm>>) target(%dma_start3A_353 : memref<2x2176xi32, #tpu.memory_space<vmem>>) target_semaphore(%arg20 : memref<!tpu.dma_semaphore, #tpu.memory_space<semaphore_mem>>)
        %dma_start3A_356 = arith.constant 2000 : i32
        %dma_start3A_357 = tpu.memref_slice %arg14[%dma_start3A_356] : memref<4000xf32, #tpu.memory_space<vmem>> -> memref<2000xf32, #tpu.memory_space<vmem>>
        %dma_start3A_358 = tpu.memref_slice %arg6[%add3A_317] : memref<640000xf32, #tpu.memory_space<hbm>> -> memref<2000xf32, #tpu.memory_space<hbm>>
        %dma_start3A_359 = arith.constant 2000 : i32
        %dma_start3A_360 = tpu.memref_slice %arg14[%dma_start3A_359] : memref<4000xf32, #tpu.memory_space<vmem>> -> memref<2000xf32, #tpu.memory_space<vmem>>
        %dma_start3A_361 = tpu.memref_slice %arg6[%add3A_317] : memref<640000xf32, #tpu.memory_space<hbm>> -> memref<2000xf32, #tpu.memory_space<hbm>>
        tpu.enqueue_dma source(%dma_start3A_361 : memref<2000xf32, #tpu.memory_space<hbm>>) target(%dma_start3A_360 : memref<2000xf32, #tpu.memory_space<vmem>>) target_semaphore(%arg20 : memref<!tpu.dma_semaphore, #tpu.memory_space<semaphore_mem>>)
        %dma_start3A_362 = arith.constant 2000 : i32
        %dma_start3A_363 = tpu.memref_slice %arg15[%dma_start3A_362] : memref<4000xf32, #tpu.memory_space<vmem>> -> memref<2000xf32, #tpu.memory_space<vmem>>
        %dma_start3A_364 = tpu.memref_slice %arg7[%add3A_317] : memref<640000xf32, #tpu.memory_space<hbm>> -> memref<2000xf32, #tpu.memory_space<hbm>>
        %dma_start3A_365 = arith.constant 2000 : i32
        %dma_start3A_366 = tpu.memref_slice %arg15[%dma_start3A_365] : memref<4000xf32, #tpu.memory_space<vmem>> -> memref<2000xf32, #tpu.memory_space<vmem>>
        %dma_start3A_367 = tpu.memref_slice %arg7[%add3A_317] : memref<640000xf32, #tpu.memory_space<hbm>> -> memref<2000xf32, #tpu.memory_space<hbm>>
        tpu.enqueue_dma source(%dma_start3A_367 : memref<2000xf32, #tpu.memory_space<hbm>>) target(%dma_start3A_366 : memref<2000xf32, #tpu.memory_space<vmem>>) target_semaphore(%arg20 : memref<!tpu.dma_semaphore, #tpu.memory_space<semaphore_mem>>)
      } else {
      }
      scf.yield %parallel_loop3A_310 : vector<16xf32>
    }
    %scan3A_108 = arith.constant 5 : i32
    %lt3A = arith.constant 30 : i32
    %lt3A_109 = arith.cmpi slt, %add3A, %lt3A : i32
    %jit3A_110 = arith.constant 15 : i32
    %div3A_111 = arith.divsi %add3A, %jit3A_110 : i32
    %sign3A_112 = arith.constant 0 : i32
    %sign3A_113 = arith.cmpi sgt, %add3A, %sign3A_112 : i32
    %sign3A_114 = arith.extui %sign3A_113 : i1 to i32
    %sign3A_115 = arith.constant 0 : i32
    %sign3A_116 = arith.cmpi slt, %add3A, %sign3A_115 : i32
    %sign3A_117 = arith.extui %sign3A_116 : i1 to i32
    %sign3A_118 = arith.subi %sign3A_114, %sign3A_117 : i32
    %sign3A_119 = arith.constant 0 : i32
    %sign3A_120 = arith.cmpi sgt, %jit3A_110, %sign3A_119 : i32
    %sign3A_121 = arith.extui %sign3A_120 : i1 to i32
    %sign3A_122 = arith.constant 0 : i32
    %sign3A_123 = arith.cmpi slt, %jit3A_110, %sign3A_122 : i32
    %sign3A_124 = arith.extui %sign3A_123 : i1 to i32
    %sign3A_125 = arith.subi %sign3A_121, %sign3A_124 : i32
    %ne3A_126 = arith.cmpi ne, %sign3A_118, %sign3A_125 : i32
    %rem3A_127 = arith.remsi %add3A, %jit3A_110 : i32
    %ne3A_128 = arith.constant 0 : i32
    %ne3A_129 = arith.cmpi ne, %rem3A_127, %ne3A_128 : i32
    %and3A_130 = arith.andi %ne3A_126, %ne3A_129 : i1
    %sub3A_131 = arith.constant 1 : i32
    %sub3A_132 = arith.subi %div3A_111, %sub3A_131 : i32
    %select_n3A_133 = arith.select %and3A_130, %sub3A_132, %div3A_111 : i32
    %jit3A_134 = arith.constant 2 : i32
    %select_n3A_135 = arith.select %lt3A_109, %select_n3A_133, %jit3A_134 : i32
    %lt3A_136 = arith.constant 30 : i32
    %lt3A_137 = arith.cmpi slt, %add3A, %lt3A_136 : i32
    %jit3A_138 = arith.constant 15 : i32
    %eq3A = arith.constant 0 : i32
    %eq3A_139 = arith.cmpi eq, %jit3A_138, %eq3A : i32
    %jit3A_140 = arith.constant 1 : i32
    %select_n3A_141 = arith.select %eq3A_139, %jit3A_140, %jit3A_138 : i32
    %rem3A_142 = arith.remsi %add3A, %select_n3A_141 : i32
    %ne3A_143 = arith.constant 0 : i32
    %ne3A_144 = arith.cmpi ne, %rem3A_142, %ne3A_143 : i32
    %lt3A_145 = arith.constant 0 : i32
    %lt3A_146 = arith.cmpi slt, %rem3A_142, %lt3A_145 : i32
    %lt3A_147 = arith.constant 0 : i32
    %lt3A_148 = arith.cmpi slt, %select_n3A_141, %lt3A_147 : i32
    %ne3A_149 = arith.xori %lt3A_146, %lt3A_148 : i1
    %and3A_150 = arith.andi %ne3A_149, %ne3A_144 : i1
    %add3A_151 = arith.addi %rem3A_142, %select_n3A_141 : i32
    %select_n3A_152 = arith.select %and3A_150, %add3A_151, %rem3A_142 : i32
    %sub3A_153 = arith.constant 30 : i32
    %sub3A_154 = arith.subi %add3A, %sub3A_153 : i32
    %select_n3A_155 = arith.select %lt3A_137, %select_n3A_152, %sub3A_154 : i32
    %mul3A_156 = arith.constant 10240 : i32
    %mul3A_157 = arith.muli %select_n3A_135, %mul3A_156 : i32
    %add3A_158 = arith.constant 10000 : i32
    %add3A_159 = arith.addi %mul3A_157, %add3A_158 : i32
    %mul3A_160 = arith.constant 16 : i32
    %mul3A_161 = arith.muli %select_n3A_155, %mul3A_160 : i32
    %add3A_162 = arith.addi %add3A_159, %mul3A_161 : i32
    %swap3A = arith.index_cast %add3A_162 : i32 to index
    %swap3A_163 = tpu.vector_load %arg12[%swap3A] {strides = array<i32>} : memref<30720xf32, #tpu.memory_space<vmem>>, vector<16xf32>,
    tpu.vector_store %arg12[%swap3A], %scan3A_107 {strides = array<i32>} : memref<30720xf32, #tpu.memory_space<vmem>>, vector<16xf32>,
    %mul3A_164 = arith.constant 30720 : i32
    %mul3A_165 = arith.muli %arg1, %mul3A_164 : i32
    "tpu.region"() ({
      %run_scoped3A = tpu.sem_alloc : memref<!tpu.dma_semaphore, #tpu.memory_space<semaphore_mem>>
      %dma_start3A_174 = tpu.memref_slice %arg18[%mul3A_165] : memref<491520xf32, #tpu.memory_space<vmem_shared>> -> memref<30720xf32, #tpu.memory_space<vmem_shared>>
      %dma_start3A_175 = tpu.memref_slice %arg18[%mul3A_165] : memref<491520xf32, #tpu.memory_space<vmem_shared>> -> memref<30720xf32, #tpu.memory_space<vmem_shared>>
      tpu.enqueue_dma source(%arg12 : memref<30720xf32, #tpu.memory_space<vmem>>) target(%dma_start3A_175 : memref<30720xf32, #tpu.memory_space<vmem_shared>>) target_semaphore(%run_scoped3A : memref<!tpu.dma_semaphore, #tpu.memory_space<semaphore_mem>>)
      %dma_wait3A = tpu.memref_slice %arg18[%mul3A_165] : memref<491520xf32, #tpu.memory_space<vmem_shared>> -> memref<30720xf32, #tpu.memory_space<vmem_shared>>
      %dma_wait3A_176 = tpu.memref_slice %arg18[%mul3A_165] : memref<491520xf32, #tpu.memory_space<vmem_shared>> -> memref<30720xf32, #tpu.memory_space<vmem_shared>>
      tpu.wait_dma2 semaphore(%run_scoped3A : memref<!tpu.dma_semaphore, #tpu.memory_space<semaphore_mem>>) src(%arg12 : memref<30720xf32, #tpu.memory_space<vmem>>) dst(%dma_wait3A_176 : memref<30720xf32, #tpu.memory_space<vmem_shared>>)
      tpu.yield
    }) : () -> ()
    %barrier3A = arith.constant 0 : index
    tpu.barrier barrier_id(%barrier3A)
    %mul3A_166 = arith.constant 1920 : i32
    %mul3A_167 = arith.muli %arg1, %mul3A_166 : i32
    "tpu.region"() ({
      %run_scoped3A = tpu.sem_alloc : memref<!tpu.dma_semaphore, #tpu.memory_space<semaphore_mem>>
      %dma_start3A_174 = tpu.memref_slice %arg18[%mul3A_167] : memref<491520xf32, #tpu.memory_space<vmem_shared>> -> memref<1920xf32, #tpu.memory_space<vmem_shared>>
      %dma_start3A_175 = tpu.memref_slice %arg18[%mul3A_167] : memref<491520xf32, #tpu.memory_space<vmem_shared>> -> memref<1920xf32, #tpu.memory_space<vmem_shared>>
      tpu.enqueue_dma source(%dma_start3A_175 : memref<1920xf32, #tpu.memory_space<vmem_shared>>) target(%arg16 : memref<1920xf32, #tpu.memory_space<vmem>>) target_semaphore(%run_scoped3A : memref<!tpu.dma_semaphore, #tpu.memory_space<semaphore_mem>>)
      %dma_wait3A = tpu.memref_slice %arg18[%mul3A_167] : memref<491520xf32, #tpu.memory_space<vmem_shared>> -> memref<1920xf32, #tpu.memory_space<vmem_shared>>
      %dma_wait3A_176 = tpu.memref_slice %arg18[%mul3A_167] : memref<491520xf32, #tpu.memory_space<vmem_shared>> -> memref<1920xf32, #tpu.memory_space<vmem_shared>>
      tpu.wait_dma2 semaphore(%run_scoped3A : memref<!tpu.dma_semaphore, #tpu.memory_space<semaphore_mem>>) src(%dma_wait3A_176 : memref<1920xf32, #tpu.memory_space<vmem_shared>>) dst(%arg16 : memref<1920xf32, #tpu.memory_space<vmem>>)
      tpu.yield
    }) : () -> ()
    %scan3A_168 = arith.constant 0 : i32
    %scan3A_169 = arith.constant 1 : i32
    %scan3A_170 = arith.constant 15 : i32
    %scan3A_171 = arith.addi %scan3A_169, %scan3A_170 : i32
    %scan3A_172 = arith.constant 1 : i32
    scf.for %scan3A_174 = %scan3A_169 to %scan3A_171 step %scan3A_172  : i32 {
      %mul3A_175 = arith.constant 30720 : i32
      %mul3A_176 = arith.muli %scan3A_174, %mul3A_175 : i32
      %add3A_177 = arith.addi %mul3A_176, %mul3A_167 : i32
      "tpu.region"() ({
        %run_scoped3A = tpu.sem_alloc : memref<!tpu.dma_semaphore, #tpu.memory_space<semaphore_mem>>
        %dma_start3A_181 = tpu.memref_slice %arg18[%add3A_177] : memref<491520xf32, #tpu.memory_space<vmem_shared>> -> memref<1920xf32, #tpu.memory_space<vmem_shared>>
        %dma_start3A_182 = tpu.memref_slice %arg18[%add3A_177] : memref<491520xf32, #tpu.memory_space<vmem_shared>> -> memref<1920xf32, #tpu.memory_space<vmem_shared>>
        tpu.enqueue_dma source(%dma_start3A_182 : memref<1920xf32, #tpu.memory_space<vmem_shared>>) target(%arg17 : memref<1920xf32, #tpu.memory_space<vmem>>) target_semaphore(%run_scoped3A : memref<!tpu.dma_semaphore, #tpu.memory_space<semaphore_mem>>)
        %dma_wait3A = tpu.memref_slice %arg18[%add3A_177] : memref<491520xf32, #tpu.memory_space<vmem_shared>> -> memref<1920xf32, #tpu.memory_space<vmem_shared>>
        %dma_wait3A_183 = tpu.memref_slice %arg18[%add3A_177] : memref<491520xf32, #tpu.memory_space<vmem_shared>> -> memref<1920xf32, #tpu.memory_space<vmem_shared>>
        tpu.wait_dma2 semaphore(%run_scoped3A : memref<!tpu.dma_semaphore, #tpu.memory_space<semaphore_mem>>) src(%dma_wait3A_183 : memref<1920xf32, #tpu.memory_space<vmem_shared>>) dst(%arg17 : memref<1920xf32, #tpu.memory_space<vmem>>)
        tpu.yield
      }) : () -> ()
      %parallel_loop3A_178 = arith.constant 0 : i32
      %parallel_loop3A_179 = arith.constant 120 : i32
      %parallel_loop3A_180 = arith.constant 1 : i32
      scf.for %parallel_loop3A_181 = %parallel_loop3A_178 to %parallel_loop3A_179 step %parallel_loop3A_180  : i32 {
        %parallel_loop3A_182 = arith.constant 16 : i32
        %parallel_loop3A_183 = arith.muli %parallel_loop3A_181, %parallel_loop3A_182 : i32
        %parallel_loop3A_184 = arith.index_cast %parallel_loop3A_183 : i32 to index
        %parallel_loop3A_185 = tpu.vector_load %arg16[%parallel_loop3A_184] {strides = array<i32>} : memref<1920xf32, #tpu.memory_space<vmem>>, vector<16xf32>,
        %parallel_loop3A_186 = arith.index_cast %parallel_loop3A_183 : i32 to index
        %parallel_loop3A_187 = tpu.vector_load %arg17[%parallel_loop3A_186] {strides = array<i32>} : memref<1920xf32, #tpu.memory_space<vmem>>, vector<16xf32>,
        %parallel_loop3A_188 = arith.addf %parallel_loop3A_185, %parallel_loop3A_187 : vector<16xf32>
        %parallel_loop3A_189 = arith.index_cast %parallel_loop3A_183 : i32 to index
        %parallel_loop3A_190 = tpu.vector_load %arg16[%parallel_loop3A_189] {strides = array<i32>} : memref<1920xf32, #tpu.memory_space<vmem>>, vector<16xf32>,
        tpu.vector_store %arg16[%parallel_loop3A_189], %parallel_loop3A_188 {strides = array<i32>} : memref<1920xf32, #tpu.memory_space<vmem>>, vector<16xf32>,
      } {sc.loop_unroll_factor = 8 : i64, sc.parallel_access}
    }
    %scan3A_173 = arith.constant 15 : i32
    "tpu.region"() ({
      %run_scoped3A = tpu.sem_alloc : memref<!tpu.dma_semaphore, #tpu.memory_space<semaphore_mem>>
      %dma_start3A_174 = tpu.memref_slice %arg8[%arg0, %mul3A_167] : memref<2x30720xf32, #tpu.memory_space<hbm>> -> memref<1x1920xf32, #tpu.memory_space<hbm>>
      %dma_start3A_175 = tpu.memref_squeeze %dma_start3A_174 : memref<1x1920xf32, #tpu.memory_space<hbm>> -> memref<1920xf32, #tpu.memory_space<hbm>>
      %dma_start3A_176 = tpu.memref_slice %arg8[%arg0, %mul3A_167] : memref<2x30720xf32, #tpu.memory_space<hbm>> -> memref<1x1920xf32, #tpu.memory_space<hbm>>
      %dma_start3A_177 = tpu.memref_squeeze %dma_start3A_176 : memref<1x1920xf32, #tpu.memory_space<hbm>> -> memref<1920xf32, #tpu.memory_space<hbm>>
      tpu.enqueue_dma source(%arg16 : memref<1920xf32, #tpu.memory_space<vmem>>) target(%dma_start3A_177 : memref<1920xf32, #tpu.memory_space<hbm>>) target_semaphore(%run_scoped3A : memref<!tpu.dma_semaphore, #tpu.memory_space<semaphore_mem>>)
      %dma_wait3A = tpu.memref_slice %arg8[%arg0, %mul3A_167] : memref<2x30720xf32, #tpu.memory_space<hbm>> -> memref<1x1920xf32, #tpu.memory_space<hbm>>
      %dma_wait3A_178 = tpu.memref_squeeze %dma_wait3A : memref<1x1920xf32, #tpu.memory_space<hbm>> -> memref<1920xf32, #tpu.memory_space<hbm>>
      %dma_wait3A_179 = tpu.memref_slice %arg8[%arg0, %mul3A_167] : memref<2x30720xf32, #tpu.memory_space<hbm>> -> memref<1x1920xf32, #tpu.memory_space<hbm>>
      %dma_wait3A_180 = tpu.memref_squeeze %dma_wait3A_179 : memref<1x1920xf32, #tpu.memory_space<hbm>> -> memref<1920xf32, #tpu.memory_space<hbm>>
      tpu.wait_dma2 semaphore(%run_scoped3A : memref<!tpu.dma_semaphore, #tpu.memory_space<semaphore_mem>>) src(%arg16 : memref<1920xf32, #tpu.memory_space<vmem>>) dst(%dma_wait3A_180 : memref<1920xf32, #tpu.memory_space<hbm>>)
      tpu.yield
    }) : () -> ()
    return
  }
}

</mosaic_0001>

<sc_bundles>
// kernel: _lj.3.cloned.1.call-start
scs
__scs_entry_jumppad:
0x0: {  	(pc) =	sbr.rel $0x88, $3  }
0x1: {  	(tag) =	ssettag $0x0;
	lr =	simm.s32 $0x1  }
0x2: {  	[smem:$0x3F9B] =	sst lr;
	_ =	strace $0xD0000000  }
0x3: {  	_ = 	snop  }
0x4: {  	_ = 	snop  }
0x5: {  	_ = 	snop  }
0x6: {  	_ = 	snop  }
0x7: {  	_ = 	snop  }
__scs_overlays_trampoline_lowered:
0x8: {  	[smem:$0x3FAA] =	sst s0  }
0x9: {  	[smem:$0x3FAB] =	sst s1  }
0xa: {  	[smem:$0x3FAC] =	sst s2  }
0xb: {  	[smem:$0x3FAD] =	sst s3  }
0xc: {  	[smem:$0x3FAE] =	sst s4  }
0xd: {  	[smem:$0x3FAF] =	sst s5  }
0xe: {  	[smem:$0x3FB0] =	sst s6  }
0xf: {  	[smem:$0x3FB1] =	sst s7  }
0x10: {  	[smem:$0x3FB2] =	sst s8  }
0x11: {  	[smem:$0x3FB3] =	sst s9;
	s0 =	simm.s32 @!p0 $0x0  }
0x12: {  	s1 =	sld [smem:$0x3F99];
	s0 =	simm.s32 @p0 $0x1  }
0x13: {  	[smem:$0x3FB4] =	sst s0;
	s0 =	simm.s32 @!p1 $0x0  }
0x14: {  	s2 =	sld [smem:$0x3F98];
	s0 =	simm.s32 @p1 $0x1  }
0x15: {  	[smem:$0x3FB5] =	sst s0;
	s0 =	simm.s32 @!p2 $0x0  }
0x16: {  	s3 =	sld [smem:$0x3FDB];
	s0 =	simm.s32 @p2 $0x1  }
0x17: {  	s4 =	simm.s32 $0x1BF5;
	[smem:$0x3FB7] =	sst s0  }
0x18: {  	s0 =	sld [smem:$0x3F9A];
	_ =	swait.ge [sflag:s4], $0x0  }
0x19: {  	s7 =	sld [smem:$0x3F9B]  }
0x1a: {  	s8 =	sadd.s32 $0xFFFFE003, lr  }
0x1b: {  	s9 =	sadd.s32 $0xFFFFFEF7, lr;
	s5 =	simm.s32 $0xFFFFFFFF;
	p2 =	slt.u32 s8, $0xFFFFF086  }
0x1c: {  	p1 =	slt.u32 s9, $0xF7A;
	s5 =	simm.s32 @!p2 $0x0  }
0x1d: {  	s5 =	simm.s32 @p1 $0x1;
	p0 =	seq.s32 s7, s2  }
0x1e: {  	s7 =	smul.u32 @!p0 $0xF7A, s2;
	p2 =	seq.s32 @!p0 s5, $0x0  }
0x1f: {  	s9 =	smul.u32 $0xF7A, s1;
	s8 =	simm.s32 @!p0 $0x1BF5;
	p2 =	por !p2, p0  }
0x20: {  	[sflag:s8] =	ssyncset.s32 @!p0 $0xFFFFF086;
	s6 =	sadd.s32 @!p0 s3, s7;
	s7 =	simm.s32 @!p0 $0x108  }
0x21: {  	s3 =	sadd.s32 s3, s9;
	s6 =	sadd.s32 @!p0 $0x88, s6;
	s7 =	simm.s32 @p2 $0x1082  }
0x22: {  	[simem:s7], [sflag:s8] =	dma.local @!p0 [hbm:s6], $0xF7A  }
0x23: {  	s9 =	sor.u32 $0xD0000000, s2;
	s6 =	simm.s32 $0x108;
	_ =	swait.ge @!p0 [sflag:s8], $0x0  }
0x24: {  	s3 =	sadd.s32 $0x88, s3;
	s6 =	simm.s32 @!p1 $0x1082;
	[sflag:s4] =	ssyncset.s32 $0xFFFFF086  }
0x25: {  	[simem:s6], [sflag:s4] =	dma.local [hbm:s3], $0xF7A  }
0x26: {  	[smem:$0x3F9B] =	sst s1;
	(tag) =	ssettag s2;
	_ =	strace s9  }
0x27: {  	s1 =	sld [smem:$0x3FAB]  }
0x28: {  	s2 =	sld [smem:$0x3FAC]  }
0x29: {  	s4 =	sld [smem:$0x3FAE]  }
0x2a: {  	p0 =	seq.s32 s5, $0x0;
	s5 =	sld [smem:$0x3FAF]  }
0x2b: {  	s6 =	sld [smem:$0x3FB0]  }
0x2c: {  	s7 =	sld [smem:$0x3FB1]  }
0x2d: {  	s3 =	simm.s32 $0x108;
	s8 =	sld [smem:$0x3FB2]  }
0x2e: {  	s3 =	simm.s32 @!p0 $0x1082;
	s9 =	sld [smem:$0x3FB3]  }
0x2f: {  	lr =	sadd.s32 s0, s3;
	s0 =	sld [smem:$0x3FAA]  }
0x30: {  	s3 =	sld [smem:$0x3FAD]  }
0x31: {  	[smem:$0x3FB6] =	sst s10  }
0x32: {  	s10 =	sld [smem:$0x3FB4];
	_ =	sdelay $0x3  }
0x33: {  	p0 =	seq.s32 s10, $0x1;
	s10 =	sld [smem:$0x3FB6];
	_ =	sdelay $0x3  }
0x34: {  	[smem:$0x3FB6] =	sst s10  }
0x35: {  	s10 =	sld [smem:$0x3FB5];
	_ =	sdelay $0x3  }
0x36: {  	p1 =	seq.s32 s10, $0x1;
	s10 =	sld [smem:$0x3FB6];
	_ =	sdelay $0x3  }
0x37: {  	[smem:$0x3FB6] =	sst s10  }
0x38: {  	s10 =	sld [smem:$0x3FB7]  }
0x39: {  	_ = 	snop;
	(pc) =	sbr.ind lr, $3  }
0x3a: {  	_ = 	snop  }
0x3b: {  	_ = 	snop  }
0x3c: {  	p2 =	seq.s32 s10, $0x1;
	s10 =	sld [smem:$0x3FB6]  }
0x3d: {  	_ =	shalt  }
0x3e: {  	_ =	shalt  }
0x3f: {  	_ =	shalt  }
0x40: {  	_ =	shalt  }
0x41: {  	_ =	shalt  }
0x42: {  	_ =	shalt  }
0x43: {  	_ =	shalt  }
0x44: {  	_ =	shalt  }
0x45: {  	_ =	shalt  }
0x46: {  	_ =	shalt  }
0x47: {  	_ =	shalt  }
0x48: {  	_ =	shalt  }
0x49: {  	_ =	shalt  }
0x4a: {  	_ =	shalt  }
0x4b: {  	_ =	shalt  }
0x4c: {  	_ =	shalt  }
0x4d: {  	_ =	shalt  }
0x4e: {  	_ =	shalt  }
0x4f: {  	_ =	shalt  }
0x50: {  	_ =	shalt  }
0x51: {  	_ =	shalt  }
0x52: {  	_ =	shalt  }
0x53: {  	_ =	shalt  }
0x54: {  	_ =	shalt  }
0x55: {  	_ =	shalt  }
0x56: {  	_ =	shalt  }
0x57: {  	_ =	shalt  }
0x58: {  	_ =	shalt  }
0x59: {  	_ =	shalt  }
0x5a: {  	_ =	shalt  }
0x5b: {  	_ =	shalt  }
0x5c: {  	_ =	shalt  }
0x5d: {  	_ =	shalt  }
0x5e: {  	_ =	shalt  }
0x5f: {  	_ =	shalt  }
0x60: {  	_ =	shalt  }
0x61: {  	_ =	shalt  }
0x62: {  	_ =	shalt  }
0x63: {  	_ =	shalt  }
0x64: {  	_ =	shalt  }
0x65: {  	_ =	shalt  }
0x66: {  	_ =	shalt  }
0x67: {  	_ =	shalt  }
0x68: {  	_ =	shalt  }
0x69: {  	_ =	shalt  }
0x6a: {  	_ =	shalt  }
0x6b: {  	_ =	shalt  }
0x6c: {  	_ =	shalt  }
0x6d: {  	_ =	shalt  }
0x6e: {  	_ =	shalt  }
0x6f: {  	_ =	shalt  }
0x70: {  	_ =	shalt  }
0x71: {  	_ =	shalt  }
0x72: {  	_ =	shalt  }
0x73: {  	_ =	shalt  }
0x74: {  	_ =	shalt  }
0x75: {  	_ =	shalt  }
0x76: {  	_ =	shalt  }
0x77: {  	_ =	shalt  }
0x78: {  	_ =	shalt  }
0x79: {  	_ =	shalt  }
0x7a: {  	_ =	shalt  }
0x7b: {  	_ =	shalt  }
0x7c: {  	_ =	shalt  }
0x7d: {  	_ =	shalt  }
0x7e: {  	_ =	shalt  }
0x7f: {  	_ =	shalt  }
0x80: {  	_ =	shalt  }
0x81: {  	_ =	shalt  }
0x82: {  	_ =	shalt  }
0x83: {  	_ =	shalt  }
0x84: {  	_ =	shalt  }
0x85: {  	_ =	shalt  }
0x86: {  	_ =	shalt  }
0x87: {  	_ =	shalt  }
.Lfunc_end0:
.L_simem_size_0:
called_computation_lowered:
.L_overlay_start_0:
0x88: {  	s2 =	sld [smem:$0x3FD9]  }
0x89: {  	s3 =	sld [smem:$0x3FFE];
	_ =	sdelay $0x1  }
0x8a: {  	s1 =	srdreg.scid  }
0x8b: {  	s0 =	sand.u32 $0x1, s1  }
0x8c: {  	s18 =	sshll.u32 s0, $0xA;
	s2 =	sadd.s32 s3, s2  }
0x8d: {  	s2 =	sadd.s32 s2, s18  }
0x8e: {  	[smem:$0x3FC2] =	sst s2  }
0x8f: {  	_ = 	snop  }
0x90: {  	s2 =	sld [smem:$0x3FC9]  }
0x91: {  	s19 =	sld [smem:$0x3FC8]  }
0x92: {  	s4 =	sld [smem:$0x3FC7]  }
0x93: {  	s5 =	sld [smem:$0x3FC6]  }
0x94: {  	s6 =	sld [smem:$0x3FC5]  }
0x95: {  	s7 =	sld [smem:$0x3FC4]  }
0x96: {  	s8 =	sld [smem:$0x3FD0];
	(tm) =	ssettm $0x1  }
0x97: {  	s9 =	sld [smem:$0x3FFB];
	_ =	sdelay $0x3  }
0x98: {  	_ =	strace s9  }
0x99: {  	s9 =	sld [smem:$0x3FFC];
	_ =	sdelay $0x3  }
0x9a: {  	_ =	strace s9  }
0x9b: {  	s9 =	sld [smem:$0x3FFD];
	_ =	sdelay $0x3  }
0x9c: {  	_ =	strace s9  }
0x9d: {  	_ =	strace $0x8FFFFFFF  }
0x9e: {  	s20 =	sld [smem:$0x3FDB];
	_ =	sdelay $0x1  }
0x9f: {  	s10 =	simm.s32 $_scs_section_size  }
0xa0: {  	s11 =	simm.s32 $_size__tile_overlayer_lowered;
	s12 =	simm.s32 $_tile_overlayer_lowered  }
0xa1: {  	s23 =	simm.s32 $0x1BFF;
	s22 =	sshll.u32 s12, $0x1;
	s9 =	sadd.s32 s10, s20  }
0xa2: {  	s13 =	simm.s32 $0x0;
	s21 =	sshll.u32 s11, $0x1;
	s11 =	sadd.s32 s22, s9  }
0xa3: {  	[timem:s13], [sflag:s23] =	dma.local [hbm:s11], s21  }
0xa4: {  	_ =	swait.ge [sflag:s23], s21  }
0xa5: {  	s10 =	ssub.s32 $0x0, s21;
	[sflag:s23] =	ssyncset.done $0x0  }
0xa6: {  	[sflag:s23] =	ssyncadd.s32 s10;
	_ =	sdelay $0x1  }
0xa7: {  	s24 =	simm.s32 $0x1B8B  }
0xa8: {  	_ =	swait.ge [sflag:s24], $0x1  }
0xa9: {  	[sflag:s24] =	ssyncset.done $0x0  }
0xaa: {  	s25 =	simm.s32 $0x1B8E;
	[sflag:s24] =	ssyncadd.s32 $0xFFFFFFFF  }
0xab: {  	s26 =	simm.s32 $execute0_lowered;
	[smem:$0x3FD2] =	sst s25  }
0xac: {  	s10 =	sshll.u32 s26, $0x1;
	_ =	strace $0x80000046;
	[dreg:$0x1] =	wrdreg $0xFFFFFFFF  }
0xad: {  	s28 =	simm.s32 $_size_execute0_lowered;
	s9 =	sadd.s32 s9, s10;
	[dreg:$0x0] =	wrdreg $0x0  }
0xae: {  	s10 =	sshll.u32 s28, $0x1;
	[dreg:$0x2] =	wrdreg s9  }
0xaf: {  	[dreg:$0x3] =	wrdreg s10  }
0xb0: {  	[dreg:$0x4] =	wrdreg $0xC0  }
0xb1: {  	_ =	task [dreg:s13], $0x5FFFF  }
0xb2: {  	[dreg:$0x1] =	wrdreg $0xFFFFFFFF  }
0xb3: {  	[dreg:$0x0] =	wrdreg $0x60  }
0xb4: {  	[dreg:$0x2] =	wrdreg s2  }
0xb5: {  	[dreg:$0x3] =	wrdreg s19  }
0xb6: {  	[dreg:$0x4] =	wrdreg s4  }
0xb7: {  	[dreg:$0x5] =	wrdreg s5  }
0xb8: {  	[dreg:$0x6] =	wrdreg s6  }
0xb9: {  	[dreg:$0x7] =	wrdreg s7  }
0xba: {  	[dreg:$0x8] =	wrdreg s8  }
0xbb: {  	[dreg:$0x9] =	wrdreg $0x13F800  }
0xbc: {  	[dreg:$0xa] =	wrdreg $0x9  }
0xbd: {  	_ =	task.clear_ibuf [dreg:s13], $0xBFFFF;
	_ =	strace $0x90000046  }
0xbe: {  	s29 =	simm.s32 $0x9;
	_ =	strace $0x80000048  }
0xbf: {  	_ =	swait.ge [sflag:s29], $0x1  }
0xc0: {  	[sflag:s29] =	ssyncadd.s32 $0xFFFFFFFF  }
0xc1: {  	_ =	strace $0x90000048  }
0xc2: {  	_ =	sfence  }
0xc3: {  	s30 =	sld [smem:$0x0];
	_ =	sdelay $0x2  }
0xc4: {  	s31 =	sshll.u32 s1, $0xD;
	s1 =	sshrl.u32 s1, $0x2  }
0xc5: {  	s3 =	sand.u32 $0x4000, s31;
	s1 =	sadd.s32 s1, s30  }
0xc6: {  	s0 =	sor.u32 s3, s0;
	s1 =	sshll.u32 s1, $0x11  }
0xc7: {  	s0 =	sor.u32 s1, s0  }
0xc8: {  	s0 =	sadd.s32 $0x8F2B, s0  }
0xc9: {  	[sflag:s0] =	ssyncadd.remote.s32 $0x1  }
0xca: {  	_ =	sfence.sel $0xFFFF  }
0xcb: {  	[dreg:$0x0] =	wrdreg $0xFFFFFFFF;
	(pc) =	sbr.abs _section_cstart, $3  }
0xcc: {  	[dreg:$0x1] =	wrdreg $0xFFFFFFFF  }
0xcd: {  	_ =	task.clear_ibuf [dreg:s13], $0x2FFFF;
	_ =	strace $0x9FFFFFFF  }
0xce: {  	(tm) =	ssettm $0x7FFFFFFF  }
0xcf: {  	_ =	shalt  }
tec
execute0_lowered:
.L_overlay_start_1:
0x0: {  	(tag) =	ssettag $0x1  }
0x1: {  	s5 =	rddreg [dreg:$0x3]  }
0x2: {  	s6 =	rddreg [dreg:$0x4]  }
0x3: {  	s9 =	rddreg [dreg:$0x5]  }
0x4: {  	s0 =	srdreg.scid;
	s1 =	rddreg [dreg:$0x6]  }
0x5: {  	s4 =	stileid.u32;
	s3 =	rddreg [dreg:$0x7];
	s8 =	simm.s32 $0x0  }
0x6: {  	s28 =	simm.s32 $0x1;
	s29 =	simm.s32 $0x7680;
	s15 =	smul.u32 $0xF00, s4  }
0x7: {  	s30 =	simm.s32 $0x2;
	s0 =	sand.u32 $0x1, s0;
	s17 =	smul.u32 $0x9C40, s4  }
0x8: {  	s2 =	sshll.u32 s4, $0x1;
	[smem:$0x7FF] =	sst s8;
	s19 =	smul.u32 $0x13880, s4  }
0x9: {  	p0 =	seq.s32 s4, $0xF;
	s2 =	sor.u32 s0, s2;
	s18 =	smul.u32 $0x4E20, s0  }
0xa: {  	s7 =	ssub.s32 $0x2, s0;
	_ =	strace $0x80000047;
	s12 =	smul.u32 $0x4E20, s2  }
0xb: {  	s16 =	sshll.u32 s0, $0x7;
	s0 =	smul.u32 $0x9C40, s0;
	s10 =	sshrl.u32 s7, $0x1  }
0xc: {  	s23 =	smul.u32 $0x23, s2;
	s7 =	ssub.s32 s7, s10;
	s11 =	sshrl.u32 s12, $0x2  }
0xd: {  	s24 =	sshrl.u32 s12, $0x3;
	[dreg:$0xd] =	wrdreg s12;
	s12 =	sadd.s32 $0x7D0, s12  }
0xe: {  	s22 =	sand.u32 $0x3FFE0, s11;
	s13 =	sadd.s32 s6, s24;
	s25 =	sshrl.u32 s12, $0x2  }
0xf: {  	s12 =	sshrl.u32 s12, $0x3;
	s10 =	sadd.s32 s5, s22;
	[dreg:$0xf] =	wrdreg s13  }
0x10: {  	s0 =	sadd.s32 s0, s19;
	s26 =	sadd.s32 s6, s12;
	[dreg:$0xe] =	wrdreg s10  }
0x11: {  	s11 =	sshrl.u32 s23, $0x9;
	s20 =	sadd.s32 s9, s12;
	[dreg:$0x12] =	wrdreg s26  }
0x12: {  	s13 =	sand.u32 $0x7FFE0, s25;
	s22 =	smax.u32 s7, $0x1;
	[dreg:$0x15] =	wrdreg s20  }
0x13: {  	s14 =	smul.u32 $0xF, s11;
	s25 =	sadd.s32 $0x80, s0;
	[dreg:$0x16] =	wrdreg s22  }
0x14: {  	s6 =	smul.u32 $0x1E00, s4;
	s0 =	sadd.s32 $0x2120, s0;
	[dreg:$0x19] =	wrdreg s25  }
0x15: {  	s11 =	smul.u32 $0x2800, s11;
	s5 =	sadd.s32 s5, s13;
	[dreg:$0x1c] =	wrdreg s0  }
0x16: {  	s10 =	sadd.s32 s9, s24;
	[dreg:$0x11] =	wrdreg s5;
	s5 =	smul.u32 $0x1E000, s4  }
0x17: {  	s0 =	simm.s32 $0x2780;
	[dreg:$0x10] =	wrdreg s10;
	s31 =	ssub.s32 s2, s14  }
0x18: {  	s2 =	sadd.s32 $0x3FFFFE2, s2;
	s10 =	sand.u32 $0xFF, s31;
	s13 =	sshrl.u32 s5, $0x2  }
0x19: {  	s11 =	sadd.s32 $0x2710, s11;
	s10 =	smov.u32 @p0 s2;
	s2 =	sadd.s32 s13, s3  }
0x1a: {  	s14 =	sshrl.u32 s6, $0x2;
	s11 =	simm.s32 @p0 $0x7710;
	[dreg:$0x13] =	wrdreg s2  }
0x1b: {  	s2 =	sor.u32 s16, s15;
	s16 =	sadd.s32 s14, s3;
	s3 =	sadd.s32 s18, s17  }
0x1c: {  	s21 =	sadd.s32 $0x7680, s11;
	s24 =	sadd.s32 $0x40, s3;
	[dreg:$0x17] =	wrdreg s3  }
0x1d: {  	s10 =	sshll.u32 s10, $0x6;
	s26 =	sadd.s32 $0x7D0, s3;
	[dreg:$0x18] =	wrdreg s24  }
0x1e: {  	s2 =	sshrl.u32 s2, $0x3;
	s31 =	sadd.s32 $0x1090, s3;
	[dreg:$0x1b] =	wrdreg s26  }
0x1f: {  	s23 =	sshra.s32 s10, $0x2;
	s1 =	sadd.s32 s1, s2;
	[dreg:$0x1d] =	wrdreg s31  }
0x20: {  	s10 =	simm.s32 $0x4;
	[dreg:$0x14] =	wrdreg s1;
	s1 =	sadd.s32 s23, s21  }
0x21: {  	v0 =	vimm.f32 $0.0e+00;
	s3 =	simm.s32 $0x0;
	[dreg:$0x1a] =	wrdreg s1;
	s1 =	simm.s32 $0x4F00  }
.LBB2_1:
0x22: {  	[dreg:$0x1e] =	wrdreg s3  }
0x23: {  	s2 =	rddreg [dreg:$0xe];
	s13 =	simm.s32 $0xEE80  }
0x24: {  	[tilespmem:s13], [sflag:$0x1] =	stream.linear.gather [hbm4b:s2+s8], $0x1100, $0x38;
	[tilespmem:$0x1B780] =	vst v63  }
0x25: {  	s14 =	rddreg [dreg:$0xf];
	s15 =	simm.s32 $0x11080  }
0x26: {  	[tilespmem:s15], [sflag:$0x1] =	stream.linear.gather [hbm4b:s14+s8], $0x7D0, $0x38;
	[tilespmem:$0x1B780] =	vst v63  }
0x27: {  	s17 =	rddreg [dreg:$0x10];
	s18 =	simm.s32 $0x12080  }
0x28: {  	[tilespmem:s18], [sflag:$0x1] =	stream.linear.gather [hbm4b:s17+s8], $0x7D0, $0x38;
	[tilespmem:$0x1B780] =	vst v63  }
0x29: {  	s19 =	rddreg [dreg:$0x11];
	s20 =	simm.s32 $0xFF80  }
0x2a: {  	[tilespmem:s20], [sflag:$0x2] =	stream.linear.gather [hbm4b:s19+s8], $0x1100, $0x38;
	[tilespmem:$0x1B780] =	vst v63  }
0x2b: {  	s21 =	rddreg [dreg:$0x12];
	s22 =	simm.s32 $0x11850  }
0x2c: {  	[tilespmem:s22], [sflag:$0x2] =	stream.linear.gather [hbm4b:s21+s8], $0x7D0, $0x38;
	[tilespmem:$0x1B780] =	vst v63  }
0x2d: {  	s23 =	rddreg [dreg:$0x15];
	s24 =	simm.s32 $0x12850  }
0x2e: {  	[tilespmem:s24], [sflag:$0x2] =	stream.linear.gather [hbm4b:s23+s8], $0x7D0, $0x38;
	[tilespmem:$0x1B780] =	vst v63  }
0x2f: {  	s25 =	rddreg [dreg:$0x0]  }
0x30: {  	[tilespmem:s8], [sflag:$0x3] =	stream.linear.gather [hbm4b:s25+s8], $0x2780, $0x38;
	[tilespmem:$0x1B780] =	vst v63  }
0x31: {  	s26 =	rddreg [dreg:$0x1]  }
0x32: {  	[tilespmem:s0], [sflag:$0x3] =	stream.linear.gather [hbm4b:s26+s8], $0x2780, $0x38;
	[tilespmem:$0x1B780] =	vst v63  }
0x33: {  	s31 =	rddreg [dreg:$0x2];
	s2 =	simm.s32 $0x76C0  }
0x34: {  	[tilespmem:s1], [sflag:$0x3] =	stream.linear.gather [hbm4b:s31+s8], $0x2780, $0x38;
	[tilespmem:$0x1B780] =	vst v63  }
0x35: {  	[tilespmem:s2+$0xFFFFFFC0] =	vst v0  }
0x36: {  	[tilespmem:s2+$0x30] =	vst v0  }
0x37: {  	[tilespmem:s2+$0x20] =	vst v0  }
0x38: {  	[tilespmem:s2+$0x10] =	vst v0  }
0x39: {  	[tilespmem:s2+$0x0] =	vst v0  }
0x3a: {  	[tilespmem:s2+$0xFFFFFFF0] =	vst v0  }
0x3b: {  	s11 =	simm.s32 $0x0;
	[tilespmem:s2+$0xFFFFFFE0] =	vst v0  }
.LBB2_2:
0x3c: {  	s11 =	sadd.s32 $0x8, s11;
	[tilespmem:s2+$0xFFFFFFD0] =	vst v0;
	s2 =	sadd.s32 $0x80, s2  }
0x3d: {  	[tilespmem:s2+$0xFFFFFFC0] =	vst v0;
	p0 =	slt.u32 s11, $0x778  }
0x3e: {  	[tilespmem:s2+$0x30] =	vst v0  }
.Ltmp0:
0x3f: {  	[tilespmem:s2+$0x20] =	vst v0;
	(pc) =	sbr.rel @p0 .LBB2_2-.Ltmp0, $4  }
0x40: {  	[tilespmem:s2+$0x10] =	vst v0  }
0x41: {  	[tilespmem:s2+$0x0] =	vst v0  }
0x42: {  	[tilespmem:s2+$0xFFFFFFF0] =	vst v0  }
0x43: {  	[tilespmem:s2+$0xFFFFFFE0] =	vst v0  }
0x44: {  	[tilespmem:s2+$0xFFFFFFD0] =	vst v0;
	s31 =	simm.s32 $0x3  }
0x45: {  	_ =	swait.ge [sflag:s31], $0x2780  }
0x46: {  	[sflag:s31] =	ssyncset.done $0x0  }
0x47: {  	[sflag:s31] =	ssyncadd.s32 $0xFFFFD880  }
0x48: {  	_ =	swait.ge [sflag:s31], $0x2780  }
0x49: {  	[sflag:s31] =	ssyncset.done $0x0  }
0x4a: {  	[sflag:s31] =	ssyncadd.s32 $0xFFFFD880  }
0x4b: {  	_ =	swait.ge [sflag:s31], $0x2780  }
0x4c: {  	s26 =	rddreg [dreg:$0x1d]  }
0x4d: {  	s25 =	rddreg [dreg:$0x1c]  }
0x4e: {  	s24 =	rddreg [dreg:$0x1b]  }
0x4f: {  	s22 =	rddreg [dreg:$0x19]  }
0x50: {  	[sflag:s31] =	ssyncset.done $0x0;
	s13 =	rddreg [dreg:$0x18]  }
0x51: {  	s14 =	simm.s32 $0x0;
	v1 =	vimm.f32 $0.0e+00;
	s20 =	rddreg [dreg:$0x17];
	[sflag:s31] =	ssyncadd.s32 $0xFFFFD880  }
.LBB2_4:
0x52: {  	s2 =	sand.u32 $0xFFFFFF80, s24;
	s21 =	sand.u32 $0xFFFFFF80, s20;
	s15 =	sshll.u32 s20, $0x1  }
0x53: {  	s2 =	smin.u32 s2, $0x9BB80;
	s23 =	ssub.s32 $0x0, s21;
	s31 =	sand.u32 $0xFFFFFF00, s15  }
0x54: {  	s11 =	sshll.u32 s2, $0x1;
	s2 =	ssub.s32 $0x0, s2;
	[dreg:$0x9] =	wrdreg s23  }
0x55: {  	s3 =	ssub.s32 $0x0, s31;
	[dreg:$0xb] =	wrdreg s2  }
0x56: {  	s11 =	ssub.s32 $0x0, s11;
	[dreg:$0xa] =	wrdreg s3  }
0x57: {  	[dreg:$0xc] =	wrdreg s11  }
0x58: {  	_ =	swait.ge [sflag:s28], $0x1100  }
0x59: {  	[sflag:s28] =	ssyncset.done $0x0  }
0x5a: {  	[sflag:s28] =	ssyncadd.s32 $0xFFFFEF00  }
0x5b: {  	_ =	swait.ge [sflag:s28], $0x7D0  }
0x5c: {  	[sflag:s28] =	ssyncset.done $0x0  }
0x5d: {  	[sflag:s28] =	ssyncadd.s32 $0xFFFFF830  }
0x5e: {  	_ =	swait.ge [sflag:s28], $0x7D0  }
0x5f: {  	s4 =	rddreg [dreg:$0xa]  }
0x60: {  	s5 =	rddreg [dreg:$0x9]  }
0x61: {  	s2 =	sadd.s32 s22, s4;
	s11 =	sadd.s32 s13, s5  }
0x62: {  	[sflag:s28] =	ssyncset.done $0x0;
	s6 =	sand.u32 $0x70, s11;
	s17 =	sand.u32 $0xFFFFFF00, s2  }
0x63: {  	[sflag:s28] =	ssyncadd.s32 $0xFFFFF830;
	s15 =	sor.u32 s6, s17  }
0x64: {  	v3 =	vld [tilespmem:s15+$0xEE80]  }
0x65: {  	s7 =	sadd.s32 $0xFFFFFFA0, s2;
	s18 =	sadd.s32 $0xFFFFFFD0, s11;
	v2 =	vld [tilespmem:s15+$0xEF00]  }
0x66: {  	s9 =	sand.u32 $0xFFFFFF00, s7;
	s12 =	sand.u32 $0x70, s18  }
0x67: {  	s15 =	sor.u32 s12, s9  }
0x68: {  	s19 =	sadd.s32 $0xFFFFFFC0, s2;
	s18 =	sadd.s32 $0xFFFFFFE0, s11;
	v4 =	vld [tilespmem:s15+$0xEF00]  }
0x69: {  	s17 =	sand.u32 $0xFFFFFF00, s19;
	v5 =	vld [tilespmem:s15+$0xEE80];
	s15 =	sand.u32 $0x70, s18  }
0x6a: {  	s15 =	sor.u32 s15, s17  }
0x6b: {  	v18 =	vld [tilespmem:s15+$0xEF00]  }
0x6c: {  	v6 =	vld.idx.msk [tilespmem:v3+s1+$0x0], $0xffff  }
0x6d: {  	v7 =	vld.idx.msk [tilespmem:v2+s0+$0x0], $0xffff  }
0x6e: {  	v8 =	vld.idx.msk [tilespmem:v2+s8+$0x0], $0xffff  }
0x6f: {  	v9 =	vld.idx.msk [tilespmem:v3+s0+$0x0], $0xffff  }
0x70: {  	v10 =	vld.idx.msk [tilespmem:v4+s1+$0x0], $0xffff  }
0x71: {  	v11 =	vld.idx.msk [tilespmem:v4+s8+$0x0], $0xffff  }
0x72: {  	v12 =	vld.idx.msk [tilespmem:v5+s0+$0x0], $0xffff  }
0x73: {  	v4 =	vld.idx.msk [tilespmem:v4+s0+$0x0], $0xffff  }
0x74: {  	v13 =	vld.idx.msk [tilespmem:v5+s8+$0x0], $0xffff  }
0x75: {  	v14 =	vld.idx.msk [tilespmem:v5+s1+$0x0], $0xffff  }
0x76: {  	v15 =	vld.idx.msk [tilespmem:v3+s8+$0x0], $0xffff  }
0x77: {  	v17 =	vld.idx.msk [tilespmem:v2+s1+$0x0], $0xffff;
	_ =	sdelay $0x1  }
0x78: {  	s21 =	sadd.s32 $0xFFFFFFF0, s11;
	s23 =	sadd.s32 $0xFFFFFFE0, s2;
	v22 =	vsub.f32 v12, v4;
	v20 =	vsub.f32 v13, v11  }
0x79: {  	s2 =	sadd.s32 $0xFFFFFF80, s2;
	s19 =	simm.s32 $0x120A0;
	s11 =	sadd.s32 $0xFFFFFFC0, s11;
	v13 =	vsub.f32 v9, v7;
	v16 =	vsub.f32 v14, v10  }
0x7a: {  	s2 =	sand.u32 $0xFFFFFF00, s2;
	s11 =	sand.u32 $0x70, s11;
	v21 =	vld [tilespmem:s19+$0x20];
	v14 =	vsub.f32 v15, v8;
	v4 =	vmul.f32 v20, v20;
	v7 =	vmul.f32 v22, v22  }
0x7b: {  	s2 =	sor.u32 s11, s2;
	s17 =	sand.u32 $0xFFFFFF00, s23;
	v2 =	vld [tilespmem:s15+$0xEE80];
	s15 =	sand.u32 $0x70, s21;
	v12 =	vsub.f32 v6, v17;
	v6 =	vmul.f32 v13, v13  }
0x7c: {  	v26 =	vld [tilespmem:s2+$0xEF00];
	s15 =	sor.u32 s15, s17;
	v9 =	vmul.f32 v16, v16;
	v10 =	vmul.f32 v14, v14;
	v7 =	vadd.f32 v7, v4  }
0x7d: {  	v25 =	vld [tilespmem:s15+$0xEF00]  }
0x7e: {  	v19 =	vld.idx.msk [tilespmem:v18+s1+$0x0], $0xffff;
	v11 =	vmul.f32 v12, v12;
	v6 =	vadd.f32 v6, v10;
	v7 =	vadd.f32 v9, v7  }
0x7f: {  	v8 =	vld [tilespmem:s19+$0xFFFFFFF0]  }
0x80: {  	v15 =	vld.idx.msk [tilespmem:v18+s0+$0x0], $0xffff;
	v6 =	vadd.f32 v11, v6;
	v7 =	vmax.f32 v7, $9.000000350e-02  }
0x81: {  	v4 =	vld [tilespmem:s15+$0xEE80];
	(erf) = vrcp.f32 v7  }
0x82: {  	v9 =	vld.idx.msk [tilespmem:v18+s8+$0x0], $0xffff;
	v6 =	vmax.f32 v6, $9.000000350e-02  }
0x83: {  	v11 =	vld.idx.msk [tilespmem:v2+s8+$0x0], $0xffff;
	(erf) = vrcp.f32 v6  }
0x84: {  	v6 =	vld.idx.msk [tilespmem:v2+s0+$0x0], $0xffff  }
0x85: {  	v7 =	vld.idx.msk [tilespmem:v2+s1+$0x0], $0xffff  }
0x86: {  	v10 =	vld [tilespmem:s2+$0xEE80];
	_ =	sdelay $0x1  }
0x87: {  	v18 =	vsub.f32 v11, v9;
	v9 =	vld.idx.msk [tilespmem:v25+s8+$0x0], $0xffff  }
0x88: {  	v8 =	vmul.f32 v8, v8;
	v23 =	vld.idx.msk [tilespmem:v4+s8+$0x0], $0xffff;
	v17 =	vsub.f32 v6, v15  }
0x89: {  	v6 =	vmul.f32 v18, v18;
	v15 =	vsub.f32 v7, v19;
	v7 =	vmul.f32 v21, v21;
	v29 =	vpop (erf)  }
0x8a: {  	v11 =	vmul.f32 v29, v8;
	v8 =	vmul.f32 v17, v17  }
0x8b: {  	v31 =	vld.idx.msk [tilespmem:v26+s8+$0x0], $0xffff;
	v19 =	vmul.f32 v15, v15;
	v28 =	vpop (erf)  }
0x8c: {  	v34 =	vld.idx.msk [tilespmem:v26+s0+$0x0], $0xffff;
	v7 =	vmul.f32 v28, v7;
	v24 =	vmul.f32 v11, v11;
	v6 =	vadd.f32 v8, v6  }
0x8d: {  	s18 =	simm.s32 $0x110A0;
	v33 =	vld.idx.msk [tilespmem:v10+s0+$0x0], $0xffff;
	v8 =	vsub.f32 v23, v9  }
0x8e: {  	v21 =	vld [tilespmem:s18+$0xFFFFFFF0];
	v9 =	vmul.f32 v24, v11;
	v6 =	vadd.f32 v19, v6;
	v11 =	vmul.f32 v7, v7  }
0x8f: {  	v27 =	vmul.f32 v8, v8;
	v19 =	vld.idx.msk [tilespmem:v10+s8+$0x0], $0xffff  }
0x90: {  	v30 =	vld [tilespmem:s18+$0x20];
	v32 =	vmul.f32 v9, v9;
	v6 =	vmax.f32 v6, $9.000000350e-02;
	v7 =	vmul.f32 v11, v7  }
0x91: {  	v26 =	vld.idx.msk [tilespmem:v26+s1+$0x0], $0xffff;
	v35 =	vmul.f32 $6.000000000e+00, v9;
	(erf) = vrcp.f32 v6  }
0x92: {  	v23 =	vld.idx.msk [tilespmem:v10+s1+$0x0], $0xffff;
	v6 =	vmul.f32 $1.200000000e+01, v32;
	v36 =	vmul.f32 v7, v7  }
0x93: {  	s31 =	smul.u32 $0xFA0, s14;
	v24 =	vld.idx.msk [tilespmem:v25+s1+$0x0], $0xffff;
	v11 =	vmul.f32 $4.000000000e+00, v21;
	v21 =	vsub.f32 v33, v34;
	v37 =	vmul.f32 $6.000000000e+00, v7  }
0x94: {  	s3 =	rddreg [dreg:$0xd];
	v25 =	vld.idx.msk [tilespmem:v25+s0+$0x0], $0xffff;
	v19 =	vsub.f32 v19, v31;
	v38 =	vsub.f32 v6, v35;
	v39 =	vmul.f32 $1.200000000e+01, v36  }
0x95: {  	s11 =	sadd.s32 s3, s31;
	s23 =	simm.s32 $0x110F0;
	s21 =	smov.u32 s13;
	v9 =	vsub.f32 v32, v9;
	v32 =	vld [tilespmem:s19+$0x0];
	v6 =	vmul.f32 $4.000000000e+00, v30;
	v7 =	vsub.f32 v36, v7  }
0x96: {  	s17 =	simm.s32 $0x0;
	s15 =	sadd.s32 $0xA0, s22;
	s2 =	simm.s32 $0x120F0;
	v31 =	vld.idx.msk [tilespmem:v4+s0+$0x0], $0xffff;
	v35 =	vmul.f32 v19, v19;
	v33 =	vmul.f32 v38, v11;
	v34 =	vsub.f32 v39, v37  }
.LBB2_5:
0x97: {  	_ =	sdelay $0x1  }
0x98: {  	v30 =	vld [tilespmem:s18+$0x10];
	v29 =	vmul.f32 v33, v29  }
0x99: {  	v53 =	vadd.s32 $0x5000, v5;
	v36 =	vld.idx.msk [tilespmem:v4+s1+$0x0], $0xffff;
	v26 =	vsub.f32 v23, v26;
	v23 =	vmul.f32 v21, v21  }
0x9a: {  	v37 =	vld [tilespmem:s18+$0xFFFFFFE0];
	v39 =	vadd.s32 $0x2800, v5;
	v34 =	vmul.f32 v34, v6;
	v22 =	vmul.f32 v29, v22  }
0x9b: {  	v40 =	vld [tilespmem:s19+$0x10];
	v32 =	vmul.f32 v32, v32;
	v35 =	vadd.f32 v23, v35;
	v38 =	vmul.f32 v26, v26  }
0x9c: {  	s31 =	rddreg [dreg:$0xa];
	v54 =	vld [tilespmem:s19+$0xFFFFFFE0];
	v34 =	vmul.f32 v34, v28;
	v20 =	vmul.f32 v29, v20;
	v41 =	vpop (erf)  }
0x9d: {  	s21 =	sadd.s32 $0x50, s21;
	s7 =	rddreg [dreg:$0x9];
	v28 =	vsub.f32 v31, v25;
	v23 =	vld [tilespmem:s2+$0xFFFFFFF0];
	v32 =	vmul.f32 v41, v32;
	v35 =	vadd.f32 v38, v35  }
0x9e: {  	s3 =	sadd.s32 s15, s31;
	s7 =	sadd.s32 s21, s7;
	v16 =	vmul.f32 v29, v16;
	v29 =	vsub.f32 v36, v24;
	[tilespmem:v5+s29+$0x0] =	vst.idx.add.f32.msk $0xffff, v20  }
0x9f: {  	s6 =	sand.u32 $0x70, s7;
	s9 =	sand.u32 $0xFFFFFF00, s3;
	v24 =	vmul.f32 v28, v28;
	[tilespmem:v39+s29+$0x0] =	vst.idx.add.f32.msk $0xffff, v22;
	v5 =	vmul.f32 v32, v32;
	v25 =	vmax.f32 v35, $9.000000350e-02  }
0xa0: {  	s31 =	sadd.s32 $0xFFFFFF80, s3;
	s12 =	sadd.s32 $0xFFFFFFA0, s3;
	s6 =	sor.u32 s6, s9;
	[tilespmem:v53+s29+$0x0] =	vst.idx.add.f32.msk $0xffff, v16;
	(erf) = vrcp.f32 v25  }
0xa1: {  	s4 =	sadd.s32 $0xFFFFFFF0, s7;
	s19 =	sadd.s32 $0xFFFFFFC0, s7;
	s5 =	sadd.s32 $0xFFFFFFD0, s7;
	v55 =	vld [tilespmem:s6+$0xEF00];
	v16 =	vadd.f32 v24, v27;
	v24 =	vmul.f32 v29, v29;
	v5 =	vmul.f32 v5, v32  }
0xa2: {  	s7 =	sadd.s32 $0xFFFFFFE0, s7;
	v14 =	vmul.f32 v34, v14;
	v20 =	vld [tilespmem:s18+$0x0];
	s18 =	sand.u32 $0x70, s19;
	s19 =	sadd.s32 $0xFFFFFFC0, s3;
	v22 =	vadd.s32 $0x2800, v3  }
0xa3: {  	s7 =	sand.u32 $0x70, s7;
	s3 =	sadd.s32 $0xFFFFFFE0, s3;
	s19 =	sand.u32 $0xFFFFFF00, s19;
	v27 =	vld [tilespmem:s6+$0xEE80];
	v16 =	vadd.f32 v24, v16;
	v25 =	vadd.s32 $0x5000, v3;
	v31 =	vmul.f32 v5, v5  }
0xa4: {  	s4 =	sand.u32 $0x70, s4;
	v13 =	vmul.f32 v34, v13;
	s3 =	sand.u32 $0xFFFFFF00, s3;
	s7 =	sor.u32 s7, s19;
	[tilespmem:v3+s29+$0x0] =	vst.idx.add.f32.msk $0xffff, v14  }
0xa5: {  	s3 =	sor.u32 s4, s3;
	v57 =	vld [tilespmem:s7+$0xEF00];
	v16 =	vmax.f32 v16, $9.000000350e-02;
	v56 =	vmul.f32 $6.000000000e+00, v5;
	v24 =	vmul.f32 $1.200000000e+01, v31  }
0xa6: {  	v12 =	vmul.f32 v34, v12;
	v58 =	vld [tilespmem:s3+$0xEE80];
	(erf) = vrcp.f32 v16  }
0xa7: {  	s12 =	sand.u32 $0xFFFFFF00, s12;
	s5 =	sand.u32 $0x70, s5;
	[tilespmem:v22+s29+$0x0] =	vst.idx.add.f32.msk $0xffff, v13;
	v13 =	vmul.f32 $4.000000000e+00, v20;
	v14 =	vsub.f32 v24, v56  }
0xa8: {  	s5 =	sor.u32 s5, s12;
	[tilespmem:v25+s29+$0x0] =	vst.idx.add.f32.msk $0xffff, v12;
	v12 =	vmul.f32 v54, v54  }
0xa9: {  	v20 =	vld [tilespmem:s5+$0xEF00];
	v14 =	vmul.f32 v14, v13;
	v16 =	vpop (erf)  }
0xaa: {  	v3 =	vmov v27;
	v27 =	vld [tilespmem:s7+$0xEE80];
	v12 =	vmul.f32 v16, v12  }
0xab: {  	v31 =	vsub.f32 v31, v5;
	v5 =	vld [tilespmem:s5+$0xEE80];
	v14 =	vmul.f32 v14, v41  }
0xac: {  	v25 =	vld [tilespmem:s3+$0xEF00];
	v24 =	vmul.f32 v12, v12  }
0xad: {  	v59 =	vadd.s32 $0x2800, v2;
	v60 =	vld.idx.msk [tilespmem:v55+s0+$0x0], $0xffff;
	v18 =	vmul.f32 v14, v18  }
0xae: {  	v61 =	vld.idx.msk [tilespmem:v55+s1+$0x0], $0xffff;
	v12 =	vmul.f32 v24, v12;
	v24 =	vmul.f32 v40, v40  }
0xaf: {  	v32 =	vld.idx.msk [tilespmem:v55+s8+$0x0], $0xffff;
	v15 =	vmul.f32 v14, v15;
	v14 =	vmul.f32 v14, v17;
	v17 =	vpop (erf)  }
0xb0: {  	v22 =	vld.idx.msk [tilespmem:v3+s1+$0x0], $0xffff;
	v24 =	vmul.f32 v17, v24  }
0xb1: {  	[tilespmem:v2+s29+$0x0] =	vst.idx.add.f32.msk $0xffff, v18;
	v62 =	vmul.f32 v12, v12  }
0xb2: {  	v37 =	vmul.f32 $4.000000000e+00, v37;
	[tilespmem:v59+s29+$0x0] =	vst.idx.add.f32.msk $0xffff, v14;
	v14 =	vmul.f32 v24, v24  }
0xb3: {  	v44 =	vld.idx.msk [tilespmem:v3+s0+$0x0], $0xffff;
	v63 =	vmul.f32 $6.000000000e+00, v12;
	v18 =	vmul.f32 $1.200000000e+01, v62;
	v12 =	vsub.f32 v62, v12  }
0xb4: {  	v52 =	vld.idx.msk [tilespmem:v3+s8+$0x0], $0xffff;
	v14 =	vmul.f32 v14, v24  }
0xb5: {  	v9 =	vmul.f32 v9, v11;
	v45 =	vld.idx.msk [tilespmem:v20+s1+$0x0], $0xffff;
	v18 =	vsub.f32 v18, v63;
	v46 =	vmul.f32 v12, v37  }
0xb6: {  	v6 =	vmul.f32 v7, v6;
	v48 =	vld.idx.msk [tilespmem:v5+s0+$0x0], $0xffff;
	v12 =	vsub.f32 v22, v61;
	v47 =	vmul.f32 v14, v14  }
0xb7: {  	v24 =	vld.idx.msk [tilespmem:v5+s1+$0x0], $0xffff;
	v22 =	vmul.f32 $4.000000000e+00, v30;
	v18 =	vmul.f32 v18, v37;
	v1 =	vadd.f32 v46, v1  }
0xb8: {  	v49 =	vadd.s32 $0x2800, v10;
	v30 =	vld.idx.msk [tilespmem:v20+s8+$0x0], $0xffff;
	v11 =	vmul.f32 $6.000000000e+00, v14;
	v50 =	vmul.f32 $1.200000000e+01, v47  }
0xb9: {  	v20 =	vld.idx.msk [tilespmem:v20+s0+$0x0], $0xffff;
	v14 =	vsub.f32 v47, v14;
	v18 =	vmul.f32 v18, v16;
	v1 =	vadd.f32 v9, v1  }
0xba: {  	v51 =	vld.idx.msk [tilespmem:v5+s8+$0x0], $0xffff;
	v9 =	vmul.f32 v31, v13;
	v13 =	vsub.f32 v44, v60;
	v11 =	vsub.f32 v50, v11  }
0xbb: {  	v53 =	vadd.s32 $0x5000, v10;
	v54 =	vld.idx.msk [tilespmem:v25+s8+$0x0], $0xffff;
	v14 =	vmul.f32 v14, v22;
	v21 =	vmul.f32 v18, v21  }
0xbc: {  	v31 =	vld.idx.msk [tilespmem:v57+s8+$0x0], $0xffff;
	v1 =	vadd.f32 v9, v1;
	v7 =	vmul.f32 v13, v13;
	v11 =	vmul.f32 v11, v22  }
0xbd: {  	v16 =	vsub.f32 v24, v45;
	v24 =	vld.idx.msk [tilespmem:v25+s1+$0x0], $0xffff;
	v19 =	vmul.f32 v18, v19;
	v18 =	vmul.f32 v18, v26  }
0xbe: {  	v9 =	vld.idx.msk [tilespmem:v58+s8+$0x0], $0xffff;
	v1 =	vadd.f32 v14, v1;
	v22 =	vsub.f32 v48, v20;
	v11 =	vmul.f32 v11, v17  }
0xbf: {  	v20 =	vsub.f32 v51, v30;
	[tilespmem:v10+s29+$0x0] =	vst.idx.add.f32.msk $0xffff, v19;
	v10 =	vadd.s32 $0x2800, v4;
	v14 =	vsub.f32 v52, v32  }
0xc0: {  	[tilespmem:v49+s29+$0x0] =	vst.idx.add.f32.msk $0xffff, v21;
	v1 =	vadd.f32 v6, v1;
	v17 =	vadd.s32 $0x5000, v4;
	v6 =	vmul.f32 v11, v8  }
0xc1: {  	v19 =	vmul.f32 v20, v20;
	v21 =	vmul.f32 v22, v22;
	[tilespmem:v53+s29+$0x0] =	vst.idx.add.f32.msk $0xffff, v18  }
0xc2: {  	v8 =	vmul.f32 v11, v28;
	v28 =	vmul.f32 v16, v16;
	[tilespmem:v4+s29+$0x0] =	vst.idx.add.f32.msk $0xffff, v6  }
0xc3: {  	v26 =	vld.idx.msk [tilespmem:v57+s0+$0x0], $0xffff;
	v6 =	vmul.f32 v11, v29;
	v11 =	vadd.f32 v21, v19;
	v19 =	vmul.f32 v14, v14  }
0xc4: {  	v18 =	vmul.f32 v12, v12;
	v21 =	vadd.s32 $0x5000, v2;
	[tilespmem:v10+s29+$0x0] =	vst.idx.add.f32.msk $0xffff, v8  }
0xc5: {  	v8 =	vadd.f32 v28, v11;
	v7 =	vadd.f32 v7, v19;
	[tilespmem:v17+s29+$0x0] =	vst.idx.add.f32.msk $0xffff, v6  }
0xc6: {  	v6 =	vld.idx.msk [tilespmem:v27+s8+$0x0], $0xffff  }
0xc7: {  	v11 =	vld.idx.msk [tilespmem:v27+s1+$0x0], $0xffff;
	v10 =	vmax.f32 v8, $9.000000350e-02;
	v7 =	vadd.f32 v18, v7  }
0xc8: {  	s31 =	sand.u32 $0xFFFFFF00, s31;
	v8 =	vsub.f32 v9, v54;
	v9 =	vld.idx.msk [tilespmem:v57+s1+$0x0], $0xffff;
	(erf) = vrcp.f32 v10  }
0xc9: {  	s31 =	sor.u32 s18, s31;
	[tilespmem:v21+s29+$0x0] =	vst.idx.add.f32.msk $0xffff, v15;
	v7 =	vmax.f32 v7, $9.000000350e-02  }
0xca: {  	v10 =	vld [tilespmem:s31+$0xEE80];
	(erf) = vrcp.f32 v7  }
0xcb: {  	v17 =	vld.idx.msk [tilespmem:v27+s0+$0x0], $0xffff  }
0xcc: {  	v18 =	vsub.f32 v6, v31;
	v6 =	vld [tilespmem:s2+$0x20]  }
0xcd: {  	v7 =	vld [tilespmem:s31+$0xEF00];
	_ =	sdelay $0x2  }
0xce: {  	v21 =	vmul.f32 v23, v23;
	v17 =	vsub.f32 v17, v26  }
0xcf: {  	v19 =	vmul.f32 v18, v18;
	v15 =	vsub.f32 v11, v9;
	v6 =	vmul.f32 v6, v6;
	v29 =	vpop (erf)  }
0xd0: {  	v11 =	vmul.f32 v29, v21;
	v21 =	vmul.f32 v17, v17  }
0xd1: {  	v30 =	vld [tilespmem:s23+$0x20];
	v9 =	vmul.f32 v15, v15;
	v28 =	vpop (erf)  }
0xd2: {  	v56 =	vld.idx.msk [tilespmem:v10+s8+$0x0], $0xffff;
	v23 =	vmul.f32 v11, v11;
	v19 =	vadd.f32 v21, v19;
	v6 =	vmul.f32 v28, v6  }
0xd3: {  	v55 =	vld.idx.msk [tilespmem:v7+s8+$0x0], $0xffff  }
0xd4: {  	v31 =	vld [tilespmem:s23+$0xFFFFFFF0];
	v11 =	vmul.f32 v23, v11;
	v9 =	vadd.f32 v9, v19;
	v19 =	vmul.f32 v6, v6  }
0xd5: {  	v57 =	vld.idx.msk [tilespmem:v7+s0+$0x0], $0xffff  }
0xd6: {  	s17 =	sadd.s32 $0x5, s17;
	v4 =	vmov v58;
	v21 =	vld.idx.msk [tilespmem:v10+s0+$0x0], $0xffff;
	v58 =	vmul.f32 v11, v11;
	v59 =	vmul.f32 v19, v6  }
0xd7: {  	p0 =	slt.u32 s17, $0x78;
	v2 =	vmovc v27;
	v27 =	vmul.f32 v8, v8;
	v9 =	vmax.f32 v9, $9.000000350e-02;
	v6 =	vmul.f32 $6.000000000e+00, v11  }
.Ltmp1:
0xd8: {  	v26 =	vld.idx.msk [tilespmem:v7+s1+$0x0], $0xffff;
	v19 =	vsub.f32 v56, v55;
	v7 =	vmul.f32 $1.200000000e+01, v58;
	v60 =	vmul.f32 v59, v59;
	(pc) =	sbr.rel @p0 .LBB2_5-.Ltmp1, $4  }
0xd9: {  	v25 =	vld.idx.msk [tilespmem:v25+s0+$0x0], $0xffff;
	(erf) = vrcp.f32 v9;
	v9 =	vsub.f32 v58, v11;
	v11 =	vmul.f32 $4.000000000e+00, v31  }
0xda: {  	v32 =	vld [tilespmem:s2+$0x0];
	v61 =	vmul.f32 $6.000000000e+00, v59;
	v62 =	vsub.f32 v7, v6;
	v63 =	vmul.f32 $1.200000000e+01, v60  }
0xdb: {  	s15 =	sadd.s32 $0xA0, s15;
	s18 =	smov.u32 s23;
	v23 =	vld.idx.msk [tilespmem:v10+s1+$0x0], $0xffff;
	v21 =	vsub.f32 v21, v57;
	v35 =	vmul.f32 v19, v19;
	v6 =	vmul.f32 $4.000000000e+00, v30  }
0xdc: {  	s19 =	smov.u32 s2;
	s23 =	sadd.s32 $0x50, s23;
	s2 =	sadd.s32 $0x50, s2;
	v31 =	vld.idx.msk [tilespmem:v4+s0+$0x0], $0xffff;
	v7 =	vsub.f32 v60, v59;
	v33 =	vmul.f32 v62, v11;
	v34 =	vsub.f32 v63, v61  }
0xdd: {  	_ =	sdelay $0x3  }
0xde: {  	v30 =	vld.idx.msk [tilespmem:v4+s1+$0x0], $0xffff;
	_ =	sdelay $0x1  }
0xdf: {  	v36 =	vsub.f32 v23, v26;
	v23 =	vmul.f32 v21, v21  }
0xe0: {  	v31 =	vsub.f32 v31, v25  }
0xe1: {  	v23 =	vadd.f32 v23, v35;
	v25 =	vmul.f32 v36, v36  }
0xe2: {  	v30 =	vsub.f32 v30, v24;
	v24 =	vmul.f32 v31, v31  }
0xe3: {  	v23 =	vadd.f32 v25, v23  }
0xe4: {  	v26 =	vmul.f32 v30, v30;
	v24 =	vadd.f32 v24, v27  }
0xe5: {  	v23 =	vmax.f32 v23, $9.000000350e-02  }
0xe6: {  	v24 =	vadd.f32 v26, v24;
	(erf) = vrcp.f32 v23  }
0xe7: {  	v25 =	vmul.f32 v32, v32  }
0xe8: {  	v61 =	vpop (erf);
	v23 =	vmax.f32 v24, $9.000000350e-02  }
0xe9: {  	(erf) = vrcp.f32 v23;
	v23 =	vmul.f32 v61, v25;
	v25 =	vld [tilespmem:s19+$0xFFFFFFE0];
	_ =	sdelay $0x2  }
0xea: {  	v26 =	vld [tilespmem:s19+$0x10];
	v24 =	vmul.f32 v23, v23  }
0xeb: {  	v27 =	vmul.f32 v33, v29;
	v29 =	vmul.f32 v34, v6  }
0xec: {  	v23 =	vmul.f32 v24, v23;
	v25 =	vmul.f32 v25, v25  }
0xed: {  	v63 =	vmul.f32 v27, v22;
	v29 =	vmul.f32 v29, v28;
	v45 =	vpop (erf)  }
0xee: {  	v62 =	vld [tilespmem:s18+$0x0];
	v24 =	vmul.f32 v23, v23;
	v25 =	vmul.f32 v45, v25  }
0xef: {  	v22 =	vmul.f32 v26, v26;
	v38 =	vmul.f32 $6.000000000e+00, v23  }
0xf0: {  	v26 =	vmul.f32 $1.200000000e+01, v24;
	v37 =	vpop (erf);
	v28 =	vmul.f32 v25, v25  }
0xf1: {  	v40 =	vmul.f32 v27, v20;
	v39 =	vmul.f32 v37, v22  }
0xf2: {  	v48 =	vmul.f32 v27, v16;
	v46 =	vsub.f32 v26, v38;
	v26 =	vmul.f32 v28, v25  }
0xf3: {  	v22 =	vmul.f32 $4.000000000e+00, v62;
	v25 =	vld [tilespmem:s18+$0xFFFFFFE0];
	v28 =	vadd.s32 $0x2800, v5;
	v47 =	vmul.f32 v39, v39  }
0xf4: {  	v13 =	vmul.f32 v29, v13;
	v27 =	vmul.f32 v26, v26  }
0xf5: {  	v49 =	vld [tilespmem:s18+$0x10];
	v41 =	vadd.s32 $0x5000, v5;
	v33 =	vmul.f32 v46, v22;
	v20 =	vmul.f32 v47, v39  }
0xf6: {  	[tilespmem:v5+s29+$0x0] =	vst.idx.add.f32.msk $0xffff, v40;
	v5 =	vadd.s32 $0x2800, v3;
	v50 =	vmul.f32 $6.000000000e+00, v26;
	v42 =	vmul.f32 $1.200000000e+01, v27  }
0xf7: {  	v52 =	vadd.s32 $0x5000, v3;
	v14 =	vmul.f32 v29, v14;
	v16 =	vmul.f32 v20, v20  }
0xf8: {  	v32 =	vmul.f32 v33, v61;
	[tilespmem:v28+s29+$0x0] =	vst.idx.add.f32.msk $0xffff, v63;
	v28 =	vmul.f32 $4.000000000e+00, v25;
	v33 =	vsub.f32 v42, v50  }
0xf9: {  	v51 =	vmul.f32 $6.000000000e+00, v20;
	v43 =	vmul.f32 $1.200000000e+01, v16  }
0xfa: {  	v53 =	vadd.s32 $0x2800, v2;
	v12 =	vmul.f32 v29, v12;
	[tilespmem:v3+s29+$0x0] =	vst.idx.add.f32.msk $0xffff, v14;
	v33 =	vmul.f32 v33, v28  }
0xfb: {  	v25 =	vmul.f32 $4.000000000e+00, v49;
	v3 =	vmul.f32 v32, v18;
	[tilespmem:v5+s29+$0x0] =	vst.idx.add.f32.msk $0xffff, v13;
	v40 =	vsub.f32 v43, v51  }
0xfc: {  	v5 =	vadd.s32 $0x2800, v10;
	[tilespmem:v52+s29+$0x0] =	vst.idx.add.f32.msk $0xffff, v12;
	v13 =	vmul.f32 v33, v45  }
0xfd: {  	v12 =	vmul.f32 v32, v17;
	[tilespmem:v2+s29+$0x0] =	vst.idx.add.f32.msk $0xffff, v3;
	v3 =	vadd.s32 $0x5000, v10;
	v14 =	vmul.f32 v40, v25  }
0xfe: {  	[tilespmem:v41+s29+$0x0] =	vst.idx.add.f32.msk $0xffff, v48;
	v17 =	vmul.f32 v13, v19  }
0xff: {  	v18 =	vadd.s32 $0x2800, v4;
	[tilespmem:v53+s29+$0x0] =	vst.idx.add.f32.msk $0xffff, v12;
	v12 =	vmul.f32 v13, v21;
	v14 =	vmul.f32 v14, v37  }
0x100: {  	v2 =	vadd.s32 $0x5000, v2;
	v13 =	vmul.f32 v13, v36;
	[tilespmem:v10+s29+$0x0] =	vst.idx.add.f32.msk $0xffff, v17  }
0x101: {  	p0 =	seq.s32 s14, $0x4;
	v10 =	vadd.s32 $0x5000, v4;
	v8 =	vmul.f32 v14, v8;
	[tilespmem:v5+s29+$0x0] =	vst.idx.add.f32.msk $0xffff, v12  }
0x102: {  	s2 =	sadd.s32 @!p0 $0xFA0, s11;
	v5 =	vmul.f32 v14, v31;
	[tilespmem:v3+s29+$0x0] =	vst.idx.add.f32.msk $0xffff, v13  }
0x103: {  	s3 =	sand.u32 @!p0 $0x7FFFFF80, s2;
	v3 =	vmul.f32 v32, v15;
	[tilespmem:v4+s29+$0x0] =	vst.idx.add.f32.msk $0xffff, v8  }
0x104: {  	s3 =	smin.u32 @!p0 s3, $0x9BB80;
	v4 =	vmul.f32 v14, v30;
	[tilespmem:v18+s29+$0x0] =	vst.idx.add.f32.msk $0xffff, v5  }
0x105: {  	s4 =	rddreg [dreg:$0x3];
	s3 =	sshrl.u32 @!p0 s3, $0x2;
	[tilespmem:v2+s29+$0x0] =	vst.idx.add.f32.msk $0xffff, v3  }
0x106: {  	s5 =	simm.s32 @!p0 $0xEE80;
	s3 =	sadd.s32 @!p0 s4, s3;
	s4 =	simm.s32 @!p0 $0x0;
	[tilespmem:v10+s29+$0x0] =	vst.idx.add.f32.msk $0xffff, v4  }
0x107: {  	[tilespmem:s5], [sflag:$0x1] =	stream.linear.gather @!p0 [hbm4b:s3+s4], $0x1100, $0x38;
	[tilespmem:$0x1B780] =	vst v63  }
0x108: {  	s2 =	sshrl.u32 @!p0 s2, $0x3;
	s3 =	rddreg [dreg:$0x4]  }
0x109: {  	s5 =	simm.s32 @!p0 $0x11080;
	s3 =	sadd.s32 @!p0 s3, s2  }
0x10a: {  	[tilespmem:s5], [sflag:$0x1] =	stream.linear.gather @!p0 [hbm4b:s3+s4], $0x7D0, $0x38;
	[tilespmem:$0x1B780] =	vst v63  }
0x10b: {  	s3 =	rddreg [dreg:$0x5]  }
0x10c: {  	s2 =	sadd.s32 @!p0 s3, s2;
	s3 =	simm.s32 @!p0 $0x12080  }
0x10d: {  	[tilespmem:s3], [sflag:$0x1] =	stream.linear.gather @!p0 [hbm4b:s2+s4], $0x7D0, $0x38;
	[tilespmem:$0x1B780] =	vst v63  }
0x10e: {  	_ =	swait.ge [sflag:s30], $0x1100  }
0x10f: {  	[sflag:s30] =	ssyncset.done $0x0  }
0x110: {  	[sflag:s30] =	ssyncadd.s32 $0xFFFFEF00  }
0x111: {  	_ =	swait.ge [sflag:s30], $0x7D0  }
0x112: {  	[sflag:s30] =	ssyncset.done $0x0  }
0x113: {  	[sflag:s30] =	ssyncadd.s32 $0xFFFFF830  }
0x114: {  	_ =	swait.ge [sflag:s30], $0x7D0  }
0x115: {  	s4 =	rddreg [dreg:$0xc]  }
0x116: {  	s5 =	rddreg [dreg:$0xb]  }
0x117: {  	s2 =	sadd.s32 s25, s4;
	s15 =	sadd.s32 s26, s5  }
0x118: {  	[sflag:s30] =	ssyncset.done $0x0;
	s3 =	sand.u32 $0x7F, s15;
	s6 =	sand.u32 $0xFFFFFF00, s2  }
0x119: {  	[sflag:s30] =	ssyncadd.s32 $0xFFFFF830;
	s3 =	sor.u32 s3, s6  }
0x11a: {  	v3 =	vld [tilespmem:s3+$0xEE80]  }
0x11b: {  	s7 =	sadd.s32 $0xFFFFFFA0, s2;
	s9 =	sadd.s32 $0xFFFFFFD0, s15;
	v2 =	vld [tilespmem:s3+$0xEF00]  }
0x11c: {  	s12 =	sand.u32 $0xFFFFFF00, s7;
	s17 =	sand.u32 $0x7F, s9  }
0x11d: {  	s3 =	sor.u32 s17, s12  }
0x11e: {  	s18 =	sadd.s32 $0xFFFFFFE0, s15;
	s19 =	sadd.s32 $0xFFFFFFC0, s2;
	v4 =	vld [tilespmem:s3+$0xEF00]  }
0x11f: {  	s4 =	sand.u32 $0xFFFFFF00, s19;
	v5 =	vld [tilespmem:s3+$0xEE80];
	s3 =	sand.u32 $0x7F, s18  }
0x120: {  	s3 =	sor.u32 s3, s4  }
0x121: {  	v54 =	vld [tilespmem:s3+$0xEF00]  }
0x122: {  	v8 =	vld.idx.msk [tilespmem:v3+s1+$0x0], $0xffff  }
0x123: {  	v10 =	vld.idx.msk [tilespmem:v2+s0+$0x0], $0xffff  }
0x124: {  	v12 =	vld.idx.msk [tilespmem:v2+s8+$0x0], $0xffff  }
0x125: {  	v13 =	vld.idx.msk [tilespmem:v3+s0+$0x0], $0xffff  }
0x126: {  	v30 =	vld.idx.msk [tilespmem:v3+s8+$0x0], $0xffff  }
0x127: {  	v14 =	vld.idx.msk [tilespmem:v4+s1+$0x0], $0xffff  }
0x128: {  	v15 =	vld.idx.msk [tilespmem:v4+s8+$0x0], $0xffff  }
0x129: {  	v17 =	vld.idx.msk [tilespmem:v5+s0+$0x0], $0xffff  }
0x12a: {  	v4 =	vld.idx.msk [tilespmem:v4+s0+$0x0], $0xffff  }
0x12b: {  	v18 =	vld.idx.msk [tilespmem:v5+s8+$0x0], $0xffff  }
0x12c: {  	v31 =	vld.idx.msk [tilespmem:v2+s1+$0x0], $0xffff  }
0x12d: {  	v29 =	vld.idx.msk [tilespmem:v5+s1+$0x0], $0xffff  }
0x12e: {  	v2 =	vld [tilespmem:s3+$0xEE80];
	_ =	sdelay $0x1  }
0x12f: {  	s21 =	sadd.s32 $0xFFFFFFF0, s15;
	s23 =	sadd.s32 $0xFFFFFFE0, s2;
	v21 =	vsub.f32 v17, v4;
	v19 =	vsub.f32 v18, v15  }
0x130: {  	s4 =	sand.u32 $0xFFFFFF00, s23;
	s3 =	sand.u32 $0x7F, s21;
	v10 =	vsub.f32 v13, v10;
	v13 =	vsub.f32 v30, v12  }
0x131: {  	s3 =	sor.u32 s3, s4;
	v15 =	vsub.f32 v29, v14;
	v4 =	vmul.f32 v19, v19;
	v14 =	vmul.f32 v21, v21  }
0x132: {  	v55 =	vld [tilespmem:s3+$0xEF00];
	v12 =	vsub.f32 v8, v31;
	v8 =	vmul.f32 v10, v10  }
0x133: {  	s19 =	simm.s32 $0x12890;
	v32 =	vld.idx.msk [tilespmem:v54+s1+$0x0], $0xffff;
	v29 =	vmul.f32 v13, v13;
	v18 =	vmul.f32 v15, v15;
	v14 =	vadd.f32 v14, v4  }
0x134: {  	v17 =	vld [tilespmem:s19+$0xFFFFFFD0]  }
0x135: {  	v30 =	vmul.f32 v12, v12;
	v31 =	vld.idx.msk [tilespmem:v2+s1+$0x0], $0xffff;
	v8 =	vadd.f32 v8, v29;
	v14 =	vadd.f32 v18, v14  }
0x136: {  	v29 =	vld.idx.msk [tilespmem:v54+s0+$0x0], $0xffff  }
0x137: {  	s2 =	sadd.s32 $0xFFFFFF80, s2;
	s31 =	sadd.s32 $0xFFFFFFC0, s15;
	v4 =	vld [tilespmem:s3+$0xEE80];
	v8 =	vadd.f32 v30, v8;
	v14 =	vmax.f32 v14, $9.000000350e-02  }
0x138: {  	s2 =	sand.u32 $0xFFFFFF00, s2;
	s3 =	sand.u32 $0x7F, s31;
	v30 =	vld.idx.msk [tilespmem:v2+s8+$0x0], $0xffff;
	(erf) = vrcp.f32 v14  }
0x139: {  	s2 =	sor.u32 s3, s2;
	v18 =	vld.idx.msk [tilespmem:v54+s8+$0x0], $0xffff;
	v8 =	vmax.f32 v8, $9.000000350e-02  }
0x13a: {  	v56 =	vld [tilespmem:s2+$0xEF00];
	(erf) = vrcp.f32 v8  }
0x13b: {  	v8 =	vsub.f32 v27, v26;
	v26 =	vld.idx.msk [tilespmem:v2+s0+$0x0], $0xffff  }
0x13c: {  	v27 =	vld [tilespmem:s19+$0x0]  }
0x13d: {  	v16 =	vsub.f32 v16, v20;
	v14 =	vmul.f32 v8, v28  }
0x13e: {  	v23 =	vsub.f32 v24, v23;
	v8 =	vld [tilespmem:s2+$0xEE80]  }
0x13f: {  	v16 =	vmul.f32 v16, v25;
	v24 =	vld.idx.msk [tilespmem:v4+s8+$0x0], $0xffff;
	v1 =	vadd.f32 v14, v1;
	v14 =	vsub.f32 v30, v18  }
0x140: {  	v17 =	vmul.f32 v17, v17;
	v18 =	vmul.f32 v9, v11;
	v30 =	vld.idx.msk [tilespmem:v55+s8+$0x0], $0xffff;
	v11 =	vsub.f32 v26, v29  }
0x141: {  	v9 =	vsub.f32 v31, v32;
	v27 =	vmul.f32 v27, v27;
	v26 =	vmul.f32 v14, v14;
	v28 =	vpop (erf)  }
0x142: {  	s18 =	simm.s32 $0x11890;
	v20 =	vmul.f32 v11, v11;
	v17 =	vmul.f32 v28, v17  }
0x143: {  	v57 =	vld [tilespmem:s18+$0x0];
	v1 =	vadd.f32 v18, v1;
	v18 =	vmul.f32 v23, v22;
	v22 =	vmul.f32 v9, v9;
	v23 =	vpop (erf)  }
0x144: {  	v25 =	vld.idx.msk [tilespmem:v56+s8+$0x0], $0xffff;
	v20 =	vadd.f32 v20, v26;
	v26 =	vmul.f32 v23, v27;
	v31 =	vmul.f32 v17, v17  }
0x145: {  	v29 =	vld [tilespmem:s18+$0xFFFFFFD0];
	v18 =	vadd.f32 v18, v1;
	v1 =	vsub.f32 v24, v30  }
0x146: {  	v58 =	vld.idx.msk [tilespmem:v8+s0+$0x0], $0xffff;
	v20 =	vadd.f32 v22, v20;
	v22 =	vmul.f32 v26, v26;
	v17 =	vmul.f32 v31, v17  }
0x147: {  	v6 =	vmul.f32 v7, v6;
	v7 =	vadd.f32 v16, v18;
	v16 =	vld.idx.msk [tilespmem:v8+s8+$0x0], $0xffff;
	v27 =	vmul.f32 v1, v1  }
0x148: {  	v18 =	vld.idx.msk [tilespmem:v56+s0+$0x0], $0xffff;
	v20 =	vmax.f32 v20, $9.000000350e-02;
	v59 =	vmul.f32 v22, v26;
	v31 =	vmul.f32 v17, v17  }
0x149: {  	v24 =	vld.idx.msk [tilespmem:v55+s1+$0x0], $0xffff;
	(erf) = vrcp.f32 v20;
	v60 =	vmul.f32 $6.000000000e+00, v17  }
0x14a: {  	v30 =	vld.idx.msk [tilespmem:v56+s1+$0x0], $0xffff;
	v6 =	vadd.f32 v6, v7;
	v61 =	vmul.f32 v59, v59;
	v7 =	vmul.f32 $1.200000000e+01, v31  }
0x14b: {  	v26 =	vld.idx.msk [tilespmem:v8+s1+$0x0], $0xffff;
	v22 =	vmul.f32 $4.000000000e+00, v29;
	v62 =	vmul.f32 $6.000000000e+00, v59;
	v20 =	vsub.f32 v31, v17  }
0x14c: {  	v29 =	vld.idx.msk [tilespmem:v4+s0+$0x0], $0xffff;
	v17 =	vsub.f32 v16, v25;
	v63 =	vmul.f32 $1.200000000e+01, v61;
	v25 =	vsub.f32 v7, v60  }
0x14d: {  	s15 =	sadd.s32 $0x50, s26;
	s17 =	simm.s32 $0x0;
	v18 =	vsub.f32 v58, v18;
	v31 =	vld [tilespmem:s19+$0xFFFFFFE0];
	v16 =	vsub.f32 v61, v59;
	v7 =	vmul.f32 $4.000000000e+00, v57  }
0x14e: {  	s23 =	simm.s32 $0x128E0;
	s21 =	smov.u32 s25;
	s2 =	simm.s32 $0x118E0;
	v34 =	vmul.f32 v17, v17;
	v33 =	vsub.f32 v63, v62;
	v32 =	vmul.f32 v25, v22;
	v25 =	vld.idx.msk [tilespmem:v55+s0+$0x0], $0xffff  }
.LBB2_7:
0x14f: {  	_ = 	snop  }
0x150: {  	v28 =	vmul.f32 v32, v28;
	v33 =	vmul.f32 v33, v7  }
0x151: {  	v55 =	vadd.s32 $0x5000, v5;
	v36 =	vld.idx.msk [tilespmem:v4+s1+$0x0], $0xffff;
	v35 =	vmul.f32 v18, v18;
	v26 =	vsub.f32 v26, v30  }
0x152: {  	v37 =	vld [tilespmem:s18+$0xFFFFFFC0];
	v38 =	vadd.s32 $0x2800, v5;
	v21 =	vmul.f32 v28, v21;
	v33 =	vmul.f32 v33, v23  }
0x153: {  	v39 =	vld [tilespmem:s19+$0xFFFFFFF0];
	v34 =	vadd.f32 v35, v34;
	v31 =	vmul.f32 v31, v31;
	v56 =	vmul.f32 v26, v26  }
0x154: {  	v57 =	vld [tilespmem:s19+$0xFFFFFFC0];
	v19 =	vmul.f32 v28, v19;
	v15 =	vmul.f32 v28, v15;
	v40 =	vpop (erf)  }
0x155: {  	s3 =	rddreg [dreg:$0xc];
	v23 =	vld [tilespmem:s23+$0xFFFFFFD0];
	v28 =	vsub.f32 v29, v25;
	v31 =	vmul.f32 v40, v31;
	v34 =	vadd.f32 v56, v34  }
0x156: {  	s21 =	sadd.s32 $0xA0, s21;
	s4 =	rddreg [dreg:$0xb];
	[tilespmem:v5+s29+$0x0] =	vst.idx.add.f32.msk $0xffff, v19;
	v29 =	vsub.f32 v36, v24  }
0x157: {  	s3 =	sadd.s32 s21, s3;
	s4 =	sadd.s32 s15, s4;
	v24 =	vmul.f32 v28, v28;
	[tilespmem:v38+s29+$0x0] =	vst.idx.add.f32.msk $0xffff, v21;
	v5 =	vmul.f32 v31, v31;
	v25 =	vmax.f32 v34, $9.000000350e-02  }
0x158: {  	s6 =	sadd.s32 $0xFFFFFFA0, s3;
	s12 =	sadd.s32 $0xFFFFFFD0, s4;
	s19 =	sand.u32 $0x7F, s4;
	[tilespmem:v55+s29+$0x0] =	vst.idx.add.f32.msk $0xffff, v15;
	(erf) = vrcp.f32 v25  }
0x159: {  	s31 =	sand.u32 $0xFFFFFF00, s3;
	s6 =	sand.u32 $0xFFFFFF00, s6;
	s12 =	sand.u32 $0x7F, s12;
	v30 =	vld [tilespmem:s18+$0xFFFFFFF0];
	v15 =	vadd.f32 v24, v27;
	v24 =	vmul.f32 v29, v29;
	v5 =	vmul.f32 v5, v31  }
0x15a: {  	s7 =	sadd.s32 $0xFFFFFFF0, s4;
	s6 =	sor.u32 s12, s6;
	s12 =	sor.u32 s19, s31;
	v19 =	vld [tilespmem:s18+$0xFFFFFFE0];
	v13 =	vmul.f32 v33, v13;
	v21 =	vadd.s32 $0x2800, v3  }
0x15b: {  	s9 =	sadd.s32 $0xFFFFFFC0, s4;
	s4 =	sadd.s32 $0xFFFFFFE0, s4;
	s18 =	sadd.s32 $0xFFFFFFC0, s3;
	v58 =	vld [tilespmem:s12+$0xEF00];
	v15 =	vadd.f32 v24, v15;
	v25 =	vadd.s32 $0x5000, v3;
	v31 =	vmul.f32 v5, v5  }
0x15c: {  	s4 =	sand.u32 $0x7F, s4;
	v10 =	vmul.f32 v33, v10;
	s18 =	sand.u32 $0xFFFFFF00, s18;
	v27 =	vld [tilespmem:s12+$0xEE80]  }
0x15d: {  	s4 =	sor.u32 s4, s18;
	[tilespmem:v3+s29+$0x0] =	vst.idx.add.f32.msk $0xffff, v13;
	v15 =	vmax.f32 v15, $9.000000350e-02;
	v59 =	vmul.f32 $6.000000000e+00, v5;
	v24 =	vmul.f32 $1.200000000e+01, v31  }
0x15e: {  	s5 =	sadd.s32 $0xFFFFFF80, s3;
	v12 =	vmul.f32 v33, v12;
	s3 =	sadd.s32 $0xFFFFFFE0, s3;
	v60 =	vld [tilespmem:s4+$0xEF00];
	(erf) = vrcp.f32 v15  }
0x15f: {  	s7 =	sand.u32 $0x7F, s7;
	s3 =	sand.u32 $0xFFFFFF00, s3;
	[tilespmem:v21+s29+$0x0] =	vst.idx.add.f32.msk $0xffff, v10;
	v10 =	vmul.f32 $4.000000000e+00, v19;
	v13 =	vsub.f32 v24, v59  }
0x160: {  	s3 =	sor.u32 s7, s3;
	[tilespmem:v25+s29+$0x0] =	vst.idx.add.f32.msk $0xffff, v12;
	v12 =	vmul.f32 v57, v57  }
0x161: {  	v61 =	vld [tilespmem:s3+$0xEE80];
	v13 =	vmul.f32 v13, v10;
	v15 =	vpop (erf)  }
0x162: {  	v19 =	vld [tilespmem:s6+$0xEF00];
	v12 =	vmul.f32 v15, v12  }
0x163: {  	v3 =	vmov v27;
	v27 =	vld [tilespmem:s4+$0xEE80];
	v13 =	vmul.f32 v13, v40  }
0x164: {  	v31 =	vsub.f32 v31, v5;
	v5 =	vld [tilespmem:s6+$0xEE80];
	v24 =	vmul.f32 v12, v12  }
0x165: {  	v62 =	vadd.s32 $0x2800, v2;
	v25 =	vld [tilespmem:s3+$0xEF00];
	v14 =	vmul.f32 v13, v14  }
0x166: {  	v63 =	vld.idx.msk [tilespmem:v58+s0+$0x0], $0xffff;
	v12 =	vmul.f32 v24, v12;
	v24 =	vmul.f32 v39, v39  }
0x167: {  	v44 =	vld.idx.msk [tilespmem:v58+s1+$0x0], $0xffff;
	v9 =	vmul.f32 v13, v9;
	v11 =	vmul.f32 v13, v11;
	v13 =	vpop (erf)  }
0x168: {  	v21 =	vld.idx.msk [tilespmem:v3+s1+$0x0], $0xffff;
	v24 =	vmul.f32 v13, v24  }
0x169: {  	[tilespmem:v2+s29+$0x0] =	vst.idx.add.f32.msk $0xffff, v14;
	v45 =	vmul.f32 v12, v12  }
0x16a: {  	v37 =	vmul.f32 $4.000000000e+00, v37;
	[tilespmem:v62+s29+$0x0] =	vst.idx.add.f32.msk $0xffff, v11;
	v11 =	vmul.f32 v24, v24  }
0x16b: {  	v47 =	vld.idx.msk [tilespmem:v3+s0+$0x0], $0xffff;
	v46 =	vmul.f32 $6.000000000e+00, v12;
	v14 =	vmul.f32 $1.200000000e+01, v45;
	v12 =	vsub.f32 v45, v12  }
0x16c: {  	v48 =	vld.idx.msk [tilespmem:v19+s1+$0x0], $0xffff;
	v11 =	vmul.f32 v11, v24  }
0x16d: {  	v20 =	vmul.f32 v20, v22;
	v51 =	vld.idx.msk [tilespmem:v5+s0+$0x0], $0xffff;
	v14 =	vsub.f32 v14, v46;
	v49 =	vmul.f32 v12, v37  }
0x16e: {  	v7 =	vmul.f32 v16, v7;
	v53 =	vld.idx.msk [tilespmem:v5+s8+$0x0], $0xffff;
	v12 =	vsub.f32 v21, v44;
	v50 =	vmul.f32 v11, v11  }
0x16f: {  	v24 =	vld.idx.msk [tilespmem:v5+s1+$0x0], $0xffff;
	v21 =	vmul.f32 $4.000000000e+00, v30;
	v14 =	vmul.f32 v14, v37;
	v6 =	vadd.f32 v49, v6  }
0x170: {  	v52 =	vadd.s32 $0x2800, v8;
	v30 =	vld.idx.msk [tilespmem:v19+s8+$0x0], $0xffff;
	v22 =	vmul.f32 $6.000000000e+00, v11;
	v41 =	vmul.f32 $1.200000000e+01, v50  }
0x171: {  	v19 =	vld.idx.msk [tilespmem:v19+s0+$0x0], $0xffff;
	v11 =	vsub.f32 v50, v11;
	v6 =	vadd.f32 v20, v6;
	v20 =	vmul.f32 v31, v10  }
0x172: {  	v55 =	vadd.s32 $0x5000, v8;
	v32 =	vld.idx.msk [tilespmem:v58+s8+$0x0], $0xffff;
	v14 =	vmul.f32 v14, v15;
	v10 =	vsub.f32 v47, v63  }
0x173: {  	v54 =	vld.idx.msk [tilespmem:v3+s8+$0x0], $0xffff;
	v22 =	vsub.f32 v41, v22;
	v11 =	vmul.f32 v11, v21;
	v6 =	vadd.f32 v20, v6  }
0x174: {  	v31 =	vld.idx.msk [tilespmem:v60+s8+$0x0], $0xffff;
	v15 =	vsub.f32 v24, v48;
	v18 =	vmul.f32 v14, v18;
	v16 =	vmul.f32 v10, v10  }
0x175: {  	v24 =	vld.idx.msk [tilespmem:v25+s1+$0x0], $0xffff;
	v17 =	vmul.f32 v14, v17;
	v22 =	vmul.f32 v22, v21;
	v6 =	vadd.f32 v11, v6  }
0x176: {  	v20 =	vld.idx.msk [tilespmem:v61+s8+$0x0], $0xffff;
	v14 =	vmul.f32 v14, v26;
	v21 =	vsub.f32 v51, v19;
	v19 =	vsub.f32 v53, v30  }
0x177: {  	[tilespmem:v8+s29+$0x0] =	vst.idx.add.f32.msk $0xffff, v17;
	v8 =	vadd.s32 $0x2800, v4;
	v30 =	vmul.f32 v15, v15;
	v22 =	vmul.f32 v22, v13  }
0x178: {  	v17 =	vadd.s32 $0x5000, v4;
	[tilespmem:v52+s29+$0x0] =	vst.idx.add.f32.msk $0xffff, v18;
	v18 =	vmul.f32 v19, v19;
	v26 =	vmul.f32 v21, v21  }
0x179: {  	v11 =	vld.idx.msk [tilespmem:v25+s8+$0x0], $0xffff;
	v6 =	vadd.f32 v7, v6;
	v13 =	vsub.f32 v54, v32;
	v1 =	vmul.f32 v22, v1  }
0x17a: {  	[tilespmem:v55+s29+$0x0] =	vst.idx.add.f32.msk $0xffff, v14;
	v7 =	vmul.f32 v22, v28;
	v18 =	vadd.f32 v26, v18  }
0x17b: {  	[tilespmem:v4+s29+$0x0] =	vst.idx.add.f32.msk $0xffff, v1;
	v1 =	vmul.f32 v22, v29;
	v22 =	vmul.f32 v13, v13  }
0x17c: {  	v14 =	vmul.f32 v12, v12;
	v28 =	vld.idx.msk [tilespmem:v60+s0+$0x0], $0xffff  }
0x17d: {  	v26 =	vadd.s32 $0x5000, v2;
	[tilespmem:v8+s29+$0x0] =	vst.idx.add.f32.msk $0xffff, v7;
	v7 =	vadd.f32 v30, v18;
	v8 =	vadd.f32 v16, v22  }
0x17e: {  	[tilespmem:v17+s29+$0x0] =	vst.idx.add.f32.msk $0xffff, v1  }
0x17f: {  	v16 =	vld.idx.msk [tilespmem:v27+s8+$0x0], $0xffff;
	v7 =	vmax.f32 v7, $9.000000350e-02;
	v8 =	vadd.f32 v14, v8  }
0x180: {  	v17 =	vld.idx.msk [tilespmem:v27+s1+$0x0], $0xffff;
	(erf) = vrcp.f32 v7  }
0x181: {  	v1 =	vsub.f32 v20, v11;
	v11 =	vld.idx.msk [tilespmem:v60+s1+$0x0], $0xffff;
	v7 =	vmax.f32 v8, $9.000000350e-02  }
0x182: {  	[tilespmem:v26+s29+$0x0] =	vst.idx.add.f32.msk $0xffff, v9;
	(erf) = vrcp.f32 v7  }
0x183: {  	s5 =	sand.u32 $0xFFFFFF00, s5;
	s9 =	sand.u32 $0x7F, s9;
	v18 =	vld.idx.msk [tilespmem:v27+s0+$0x0], $0xffff  }
0x184: {  	s9 =	sor.u32 s9, s5;
	v14 =	vsub.f32 v16, v31;
	v16 =	vld [tilespmem:s23+$0x0]  }
0x185: {  	v8 =	vld [tilespmem:s9+$0xEE80]  }
0x186: {  	v7 =	vld [tilespmem:s9+$0xEF00];
	_ =	sdelay $0x1  }
0x187: {  	v22 =	vmul.f32 v23, v23;
	v9 =	vsub.f32 v17, v11;
	v11 =	vsub.f32 v18, v28  }
0x188: {  	v20 =	vmul.f32 v14, v14;
	v16 =	vmul.f32 v16, v16;
	v28 =	vpop (erf)  }
0x189: {  	v18 =	vmul.f32 v28, v22;
	v22 =	vmul.f32 v11, v11  }
0x18a: {  	v56 =	vld [tilespmem:s2+$0x0];
	v17 =	vmul.f32 v9, v9;
	v23 =	vpop (erf)  }
0x18b: {  	v29 =	vld [tilespmem:s2+$0xFFFFFFD0];
	v26 =	vmul.f32 v18, v18;
	v20 =	vadd.f32 v22, v20;
	v16 =	vmul.f32 v23, v16  }
0x18c: {  	v58 =	vld.idx.msk [tilespmem:v8+s8+$0x0], $0xffff  }
0x18d: {  	v31 =	vld.idx.msk [tilespmem:v7+s8+$0x0], $0xffff;
	v18 =	vmul.f32 v26, v18;
	v17 =	vadd.f32 v17, v20;
	v20 =	vmul.f32 v16, v16  }
0x18e: {  	v2 =	vmov v27;
	v27 =	vmul.f32 v1, v1;
	v57 =	vld.idx.msk [tilespmem:v8+s0+$0x0], $0xffff  }
0x18f: {  	s17 =	sadd.s32 $0x5, s17;
	v59 =	vld.idx.msk [tilespmem:v7+s0+$0x0], $0xffff;
	v22 =	vmul.f32 v18, v18;
	v17 =	vmax.f32 v17, $9.000000350e-02;
	v16 =	vmul.f32 v20, v16  }
0x190: {  	p1 =	slt.u32 s17, $0x78;
	v4 =	vmov v61;
	v30 =	vld.idx.msk [tilespmem:v7+s1+$0x0], $0xffff;
	v7 =	vmul.f32 $6.000000000e+00, v18;
	(erf) = vrcp.f32 v17  }
.Ltmp2:
0x191: {  	v60 =	vmul.f32 $1.200000000e+01, v22;
	v61 =	vmul.f32 v16, v16;
	(pc) =	sbr.rel @p1 .LBB2_7-.Ltmp2, $4  }
0x192: {  	v25 =	vld.idx.msk [tilespmem:v25+s0+$0x0], $0xffff;
	v17 =	vsub.f32 v58, v31;
	v20 =	vsub.f32 v22, v18;
	v22 =	vmul.f32 $4.000000000e+00, v29  }
0x193: {  	v26 =	vld.idx.msk [tilespmem:v8+s1+$0x0], $0xffff;
	v62 =	vmul.f32 $6.000000000e+00, v16;
	v36 =	vsub.f32 v60, v7;
	v63 =	vmul.f32 $1.200000000e+01, v61  }
0x194: {  	s15 =	sadd.s32 $0x50, s15;
	s19 =	smov.u32 s23;
	v31 =	vld [tilespmem:s23+$0xFFFFFFE0];
	v18 =	vsub.f32 v57, v59;
	v34 =	vmul.f32 v17, v17;
	v7 =	vmul.f32 $4.000000000e+00, v56  }
0x195: {  	s18 =	smov.u32 s2;
	s2 =	sadd.s32 $0x50, s2;
	s23 =	sadd.s32 $0x50, s23;
	v29 =	vld.idx.msk [tilespmem:v4+s0+$0x0], $0xffff;
	v16 =	vsub.f32 v61, v16;
	v32 =	vmul.f32 v36, v22;
	v33 =	vsub.f32 v63, v62  }
0x196: {  	_ =	sdelay $0x3  }
0x197: {  	v35 =	vld.idx.msk [tilespmem:v4+s1+$0x0], $0xffff;
	_ =	sdelay $0x1  }
0x198: {  	v36 =	vmul.f32 v18, v18;
	v26 =	vsub.f32 v26, v30  }
0x199: {  	v25 =	vsub.f32 v29, v25  }
0x19a: {  	v42 =	vadd.f32 v36, v34;
	v30 =	vmul.f32 v26, v26  }
0x19b: {  	v24 =	vsub.f32 v35, v24;
	v43 =	vmul.f32 v25, v25  }
0x19c: {  	v29 =	vadd.f32 v30, v42  }
0x19d: {  	v44 =	vmul.f32 v24, v24;
	v27 =	vadd.f32 v43, v27  }
0x19e: {  	v29 =	vmax.f32 v29, $9.000000350e-02  }
0x19f: {  	(erf) = vrcp.f32 v29;
	v27 =	vadd.f32 v44, v27;
	_ =	sdelay $0x1  }
0x1a0: {  	v46 =	vld [tilespmem:s19+$0xFFFFFFC0];
	v28 =	vmul.f32 v32, v28;
	v45 =	vmul.f32 v31, v31;
	v27 =	vmax.f32 v27, $9.000000350e-02  }
0x1a1: {  	v48 =	vmul.f32 v33, v7;
	v47 =	vpop (erf);
	(erf) = vrcp.f32 v27  }
0x1a2: {  	v49 =	vld [tilespmem:s19+$0xFFFFFFF0];
	v27 =	vmul.f32 v47, v45  }
0x1a3: {  	v21 =	vmul.f32 v28, v21;
	v23 =	vmul.f32 v48, v23  }
0x1a4: {  	v19 =	vmul.f32 v28, v19;
	v50 =	vmul.f32 v27, v27  }
0x1a5: {  	v15 =	vmul.f32 v28, v15;
	v51 =	vmul.f32 v46, v46  }
0x1a6: {  	v52 =	vld [tilespmem:s18+$0xFFFFFFE0];
	v12 =	vmul.f32 v23, v12;
	v27 =	vmul.f32 v50, v27  }
0x1a7: {  	v60 =	vld [tilespmem:s18+$0xFFFFFFF0];
	v32 =	vmul.f32 v49, v49;
	v10 =	vmul.f32 v23, v10;
	v29 =	vpop (erf)  }
0x1a8: {  	v38 =	vld [tilespmem:s18+$0xFFFFFFC0];
	v39 =	vadd.s32 $0x2800, v5;
	v28 =	vmul.f32 v29, v51;
	v53 =	vmul.f32 v27, v27  }
0x1a9: {  	v58 =	vadd.s32 $0x5000, v5;
	v13 =	vmul.f32 v23, v13;
	v37 =	vmul.f32 $6.000000000e+00, v27  }
0x1aa: {  	v40 =	vadd.s32 $0x2800, v3;
	v54 =	vmul.f32 v28, v28;
	v55 =	vmul.f32 $1.200000000e+01, v53;
	v34 =	vpop (erf)  }
0x1ab: {  	v63 =	vadd.s32 $0x5000, v3;
	v23 =	vmul.f32 $4.000000000e+00, v52;
	v32 =	vmul.f32 v34, v32  }
0x1ac: {  	[tilespmem:v3+s29+$0x0] =	vst.idx.add.f32.msk $0xffff, v13;
	v3 =	vmul.f32 $4.000000000e+00, v60;
	v28 =	vmul.f32 v54, v28;
	v57 =	vsub.f32 v55, v37  }
0x1ad: {  	v43 =	vmul.f32 $4.000000000e+00, v38;
	v56 =	vmul.f32 v32, v32  }
0x1ae: {  	[tilespmem:v5+s29+$0x0] =	vst.idx.add.f32.msk $0xffff, v19;
	v59 =	vmul.f32 v28, v28;
	v31 =	vmul.f32 v57, v23  }
0x1af: {  	[tilespmem:v39+s29+$0x0] =	vst.idx.add.f32.msk $0xffff, v21;
	v41 =	vmul.f32 $6.000000000e+00, v28;
	v32 =	vmul.f32 v56, v32  }
0x1b0: {  	v52 =	vadd.s32 $0x2800, v8;
	[tilespmem:v58+s29+$0x0] =	vst.idx.add.f32.msk $0xffff, v15;
	v61 =	vmul.f32 $1.200000000e+01, v59;
	v62 =	vmul.f32 v31, v47  }
0x1b1: {  	v27 =	vsub.f32 v53, v27;
	v54 =	vmul.f32 v20, v22;
	v42 =	vmul.f32 v32, v32  }
0x1b2: {  	v28 =	vsub.f32 v59, v28;
	v44 =	vsub.f32 v61, v41;
	v14 =	vmul.f32 v62, v14  }
0x1b3: {  	[tilespmem:v40+s29+$0x0] =	vst.idx.add.f32.msk $0xffff, v10;
	v47 =	vadd.s32 $0x2800, v2;
	v45 =	vmul.f32 $6.000000000e+00, v32;
	v46 =	vmul.f32 $1.200000000e+01, v42  }
0x1b4: {  	v51 =	vmul.f32 v28, v43;
	v48 =	vmul.f32 v44, v43;
	[tilespmem:v2+s29+$0x0] =	vst.idx.add.f32.msk $0xffff, v14;
	v2 =	vadd.s32 $0x5000, v2  }
0x1b5: {  	[tilespmem:v63+s29+$0x0] =	vst.idx.add.f32.msk $0xffff, v12;
	v56 =	vadd.s32 $0x5000, v8;
	v59 =	vmul.f32 v27, v23;
	v49 =	vsub.f32 v46, v45  }
0x1b6: {  	v50 =	vmul.f32 v62, v11;
	v6 =	vadd.f32 v51, v6;
	v13 =	vmul.f32 v48, v29  }
0x1b7: {  	v62 =	vmul.f32 v62, v9;
	v55 =	vsub.f32 v42, v32;
	v53 =	vmul.f32 v49, v3  }
0x1b8: {  	[tilespmem:v47+s29+$0x0] =	vst.idx.add.f32.msk $0xffff, v50;
	v6 =	vadd.f32 v54, v6;
	v17 =	vmul.f32 v13, v17  }
0x1b9: {  	v58 =	vadd.s32 $0x2800, v4;
	v57 =	vmul.f32 v13, v18;
	[tilespmem:v2+s29+$0x0] =	vst.idx.add.f32.msk $0xffff, v62;
	v19 =	vmul.f32 v53, v34  }
0x1ba: {  	v60 =	vadd.s32 $0x5000, v4;
	v3 =	vmul.f32 v55, v3;
	v13 =	vmul.f32 v13, v26;
	[tilespmem:v8+s29+$0x0] =	vst.idx.add.f32.msk $0xffff, v17  }
.Ltmp3:
0x1bb: {  	v6 =	vadd.f32 v59, v6;
	[tilespmem:v52+s29+$0x0] =	vst.idx.add.f32.msk $0xffff, v57;
	v1 =	vmul.f32 v19, v1;
	(pc) =	sbr.rel @p0 .LBB2_10-.Ltmp3, $4  }
0x1bc: {  	v63 =	vmul.f32 v16, v7;
	v61 =	vmul.f32 v19, v25;
	[tilespmem:v56+s29+$0x0] =	vst.idx.add.f32.msk $0xffff, v13  }
0x1bd: {  	v3 =	vadd.f32 v3, v6;
	[tilespmem:v4+s29+$0x0] =	vst.idx.add.f32.msk $0xffff, v1;
	v1 =	vmul.f32 v19, v24  }
0x1be: {  	[tilespmem:v58+s29+$0x0] =	vst.idx.add.f32.msk $0xffff, v61  }
0x1bf: {  	[tilespmem:v60+s29+$0x0] =	vst.idx.add.f32.msk $0xffff, v1;
	v1 =	vadd.f32 v63, v3  }
0x1c0: {  	s2 =	sadd.s32 $0x1770, s11  }
0x1c1: {  	s4 =	rddreg [dreg:$0x3];
	s18 =	simm.s32 $0xFF80;
	s3 =	sand.u32 $0x7FFFFF80, s2  }
0x1c2: {  	s19 =	rddreg [dreg:$0x4];
	s21 =	simm.s32 $0x11850;
	s3 =	smin.u32 s3, $0x9BB80  }
0x1c3: {  	s23 =	rddreg [dreg:$0x5];
	s31 =	simm.s32 $0x12850;
	s3 =	sshrl.u32 s3, $0x2  }
0x1c4: {  	s14 =	sadd.s32 $0x1, s14;
	s20 =	sadd.s32 $0xFA0, s20;
	s3 =	sadd.s32 s4, s3  }
0x1c5: {  	[tilespmem:s18], [sflag:$0x2] =	stream.linear.gather [hbm4b:s3+s8], $0x1100, $0x38;
	[tilespmem:$0x1B780] =	vst v63  }
.Ltmp4:
0x1c6: {  	s13 =	sadd.s32 $0xFA0, s13;
	s2 =	sshrl.u32 s2, $0x3;
	(pc) =	sbr.rel .LBB2_4-.Ltmp4, $4  }
0x1c7: {  	s22 =	sadd.s32 $0x1F40, s22;
	s24 =	sadd.s32 $0xFA0, s24;
	s3 =	sadd.s32 s19, s2  }
0x1c8: {  	[tilespmem:s21], [sflag:$0x2] =	stream.linear.gather [hbm4b:s3+s8], $0x7D0, $0x38;
	[tilespmem:$0x1B780] =	vst v63  }
0x1c9: {  	s25 =	sadd.s32 $0x1F40, s25;
	s26 =	sadd.s32 $0xFA0, s26;
	s2 =	sadd.s32 s23, s2  }
0x1ca: {  	[tilespmem:s31], [sflag:$0x2] =	stream.linear.gather [hbm4b:s2+s8], $0x7D0, $0x38;
	[tilespmem:$0x1B780] =	vst v63  }
.LBB2_10:
0x1cb: {  	s2 =	rddreg [dreg:$0x1a]  }
0x1cc: {  	s31 =	rddreg [dreg:$0x13];
	[tilespmem:s2+$0x0] =	vst v1  }
0x1cd: {  	[spmem:s31] =	stream.linear.scatter [tilespmem:s29], [sflag:$0x4], $0x7800, $0x38;
	[tilespmem:$0x1B780] =	vst v63  }
0x1ce: {  	_ =	swait.ge [sflag:s10], $0x7800  }
0x1cf: {  	[sflag:s10] =	ssyncset.done $0x0  }
0x1d0: {  	[sflag:s10] =	ssyncadd.s32 $0xFFFF8800  }
0x1d1: {  	s4 =	simm.s32 $0x13080;
	[bflag:$0x0] =	sbarrier.arrive $0xFFFF  }
0x1d2: {  	[tilespmem:s4], [sflag:$0x4] =	stream.linear.gather [spmem:s16], $0x780, $0x38;
	[tilespmem:$0x1B780] =	vst v63  }
0x1d3: {  	_ =	swait.ge [sflag:s10], $0x780  }
0x1d4: {  	[sflag:s10] =	ssyncset.done $0x0  }
0x1d5: {  	s5 =	simm.s32 $0x13800;
	s2 =	simm.s32 $0x1;
	[sflag:s10] =	ssyncadd.s32 $0xFFFFF880  }
.LBB2_11:
0x1d6: {  	s3 =	smul.u32 $0x1E000, s2;
	_ =	sdelay $0x1  }
0x1d7: {  	s3 =	sshra.s32 s3, $0x2  }
0x1d8: {  	s3 =	sadd.s32 s3, s16  }
0x1d9: {  	[tilespmem:s5], [sflag:$0x4] =	stream.linear.gather [spmem:s3], $0x780, $0x38;
	[tilespmem:$0x1B780] =	vst v63  }
0x1da: {  	_ =	swait.ge [sflag:s10], $0x780  }
0x1db: {  	[sflag:s10] =	ssyncset.done $0x0  }
0x1dc: {  	s11 =	simm.s32 $0x130C0;
	[sflag:s10] =	ssyncadd.s32 $0xFFFFF880  }
0x1dd: {  	s13 =	simm.s32 $0x13840;
	v2 =	vld [tilespmem:s11+$0x30]  }
0x1de: {  	v3 =	vld [tilespmem:s13+$0x30]  }
0x1df: {  	v1 =	vld [tilespmem:s13+$0xFFFFFFC0]  }
0x1e0: {  	v4 =	vld [tilespmem:s11+$0xFFFFFFD0]  }
0x1e1: {  	v5 =	vld [tilespmem:s13+$0xFFFFFFD0]  }
0x1e2: {  	v6 =	vld [tilespmem:s11+$0xFFFFFFE0]  }
0x1e3: {  	v7 =	vld [tilespmem:s13+$0xFFFFFFE0]  }
0x1e4: {  	v8 =	vld [tilespmem:s11+$0xFFFFFFF0]  }
0x1e5: {  	v9 =	vld [tilespmem:s13+$0xFFFFFFF0]  }
0x1e6: {  	v10 =	vld [tilespmem:s11+$0x0]  }
0x1e7: {  	v11 =	vld [tilespmem:s13+$0x0];
	v3 =	vadd.f32 v3, v2  }
0x1e8: {  	v5 =	vadd.f32 v5, v4;
	v2 =	vld [tilespmem:s11+$0x10]  }
0x1e9: {  	v6 =	vadd.f32 v7, v6;
	v4 =	vld [tilespmem:s13+$0x10];
	[tilespmem:s11+$0x30] =	vst v3  }
0x1ea: {  	v7 =	vadd.f32 v9, v8;
	[tilespmem:s11+$0xFFFFFFD0] =	vst v5;
	v3 =	vld [tilespmem:s11+$0x20]  }
0x1eb: {  	[tilespmem:s11+$0xFFFFFFE0] =	vst v6;
	v6 =	vld [tilespmem:s13+$0x20]  }
0x1ec: {  	s14 =	simm.s32 $0x0;
	s15 =	simm.s32 $0x13140;
	v5 =	vld [tilespmem:s11+$0xFFFFFFC0];
	[tilespmem:s11+$0xFFFFFFF0] =	vst v7;
	v7 =	vadd.f32 v11, v10  }
.LBB2_12:
0x1ed: {  	v8 =	vld [tilespmem:s15+$0x30];
	s13 =	sadd.s32 $0x80, s13  }
0x1ee: {  	s14 =	sadd.s32 $0x8, s14;
	v9 =	vld [tilespmem:s13+$0x30];
	[tilespmem:s11+$0x0] =	vst v7;
	v2 =	vadd.f32 v4, v2  }
0x1ef: {  	p0 =	slt.u32 s14, $0x70;
	v4 =	vld [tilespmem:s13+$0xFFFFFFC0]  }
0x1f0: {  	v7 =	vld [tilespmem:s15+$0xFFFFFFD0];
	[tilespmem:s11+$0x10] =	vst v2;
	v2 =	vadd.f32 v6, v3  }
0x1f1: {  	v3 =	vld [tilespmem:s13+$0xFFFFFFD0];
	v10 =	vadd.f32 v1, v5  }
0x1f2: {  	v5 =	vld [tilespmem:s15+$0xFFFFFFE0];
	[tilespmem:s11+$0x20] =	vst v2  }
0x1f3: {  	v2 =	vld [tilespmem:s13+$0xFFFFFFE0];
	v6 =	vadd.f32 v9, v8;
	[tilespmem:s11+$0xFFFFFFC0] =	vst v10;
	s11 =	smov.u32 s15  }
0x1f4: {  	v8 =	vld [tilespmem:s15+$0xFFFFFFF0];
	v1 =	vmov v4  }
0x1f5: {  	v9 =	vld [tilespmem:s13+$0xFFFFFFF0];
	[tilespmem:s15+$0x30] =	vst v6  }
0x1f6: {  	v3 =	vadd.f32 v3, v7;
	v7 =	vld [tilespmem:s15+$0x0]  }
0x1f7: {  	v10 =	vld [tilespmem:s13+$0x0]  }
.Ltmp5:
0x1f8: {  	[tilespmem:s15+$0xFFFFFFD0] =	vst v3;
	v3 =	vadd.f32 v2, v5;
	v2 =	vld [tilespmem:s15+$0x10];
	(pc) =	sbr.rel @p0 .LBB2_12-.Ltmp5, $4  }
0x1f9: {  	v4 =	vld [tilespmem:s13+$0x10]  }
0x1fa: {  	[tilespmem:s15+$0xFFFFFFE0] =	vst v3;
	v8 =	vadd.f32 v9, v8;
	v3 =	vld [tilespmem:s15+$0x20]  }
0x1fb: {  	v6 =	vld [tilespmem:s13+$0x20]  }
0x1fc: {  	s15 =	sadd.s32 $0x80, s15;
	v5 =	vld [tilespmem:s11+$0xFFFFFFC0];
	[tilespmem:s11+$0xFFFFFFF0] =	vst v8;
	v7 =	vadd.f32 v10, v7  }
0x1fd: {  	s2 =	sadd.s32 $0x1, s2  }
0x1fe: {  	p0 =	sne.s32 s2, $0x10  }
.Ltmp6:
0x1ff: {  	v2 =	vadd.f32 v4, v2;
	(pc) =	sbr.rel @p0 .LBB2_11-.Ltmp6, $4  }
0x200: {  	[tilespmem:s11+$0x0] =	vst v7;
	v3 =	vadd.f32 v6, v3  }
0x201: {  	[tilespmem:s11+$0x10] =	vst v2;
	v1 =	vadd.f32 v1, v5  }
0x202: {  	[tilespmem:s11+$0x20] =	vst v3  }
0x203: {  	[tilespmem:s11+$0xFFFFFFC0] =	vst v1  }
0x204: {  	s2 =	rddreg [dreg:$0x14];
	s3 =	simm.s32 $0x80;
	s5 =	simm.s32 $0x100  }
0x205: {  	[hbm4b:s2+s3] =	stream.strided.scatter [tilespmem:s4], [sflag:$0x4], $0x780, s5, s3, $0x38;
	[tilespmem:$0x1B780] =	vst v63  }
0x206: {  	_ =	swait.ge [sflag:s10], $0x780  }
0x207: {  	s26 =	rddreg [dreg:$0x1e]  }
0x208: {  	s31 =	rddreg [dreg:$0x16];
	s3 =	sadd.s32 $0x1, s26  }
0x209: {  	p0 =	sne.s32 s3, s31  }
.Ltmp7:
0x20a: {  	_ = 	snop;
	(pc) =	sbr.rel @p0 .LBB2_1-.Ltmp7, $3  }
0x20b: {  	_ =	sdelay $0x1  }
0x20c: {  	[sflag:s10] =	ssyncset.done $0x0  }
0x20d: {  	[sflag:s10] =	ssyncadd.s32 $0xFFFFF880  }
0x20e: {  	_ =	sfence.sel $0x180000  }
0x20f: {  	[bflag:$0x0] =	sbarrier.arrive $0xFFFF  }
0x210: {  	_ =	strace $0x90000047  }
0x211: {  	s0 =	stileid.u32;
	[bflag:$0x2] =	sbarrier.arrive $0xFFFF  }
0x212: {  	p0 =	sne.s32 s0, $0x0;
	s0 =	rddreg [dreg:$0x8]  }
0x213: {  	s0 =	sadd.s32 @!p0 $0x100000, s0  }
0x214: {  	[sflag:s0] =	ssyncadd.tile.s32 @!p0 $0x1;
	_ =	shalt  }
.Lfunc_end2:
_tile_overlayer_lowered:
.L_overlay_start_2:
0x215: {  	(tag) =	ssettag $0x2  }
0x216: {  	s0 =	rddreg [dreg:$0x0];
	s2 =	stileid.u32  }
0x217: {  	s1 =	rddreg [dreg:$0x1];
	p0 =	sne.s32 s2, $0x0  }
0x218: {  	s3 =	rddreg [dreg:$0x2];
	[bflag:$0x3] =	sbarrier.arrive $0xFFFF;
	s2 =	simm.s32 @!p0 $0x1C04  }
0x219: {  	[timem:s3], [sflag:s2] =	dma.local @!p0 [hbm:s0], s1  }
0x21a: {  	s0 =	simm.s32 @!p0 $0x4  }
0x21b: {  	_ =	swait.ge @!p0 [sflag:s0], s1  }
0x21c: {  	s1 =	ssub.s32 @!p0 $0x0, s1;
	[sflag:s0] =	ssyncset.done @!p0 $0x0  }
0x21d: {  	[sflag:s0] =	ssyncadd.s32 @!p0 s1  }
0x21e: {  	[bflag:$0x3] =	sbarrier.arrive $0xFFFF  }
0x21f: {  	_ =	shalt  }

</sc_bundles>
